<compile_context>
chip_gen: v7x
topology: tpu7x:2x2x1
jax: 0.10.2.dev20260603
libtpu: 0.0.44.dev20260713+nightly
codegen_flags: <defaults>
</compile_context>

<pallas_src>
import functools

import jax
import jax.numpy as jnp
from jax import lax
from jax.experimental import pallas as pl
from jax.experimental.pallas import tpu as pltpu
from jax.experimental.pallas import tpu_sc as plsc

_B_TOK = 25088
_D = 64
_K = 1024
_TBLK = 1792
_NBLK = _B_TOK // _TBLK

_NC = 2
_NS = 16
_NW = _NC * _NS
_B_PER_W = _B_TOK // _NW
_GCHUNK = 112
_NCHUNK = _B_PER_W // _GCHUNK


def _vq_argmin_body(tok_ref, cb_ref, idx_ref, loss_ref):
    i = pl.program_id(0)
    t = tok_ref[...]
    cb = cb_ref[...]
    scores = lax.dot_general(
        t, cb, (((1,), (1,)), ((), ())),
        preferred_element_type=jnp.float32)
    cb2 = cb * cb
    ones = jnp.ones((1, _D), jnp.float32)
    b2 = lax.dot_general(
        ones, cb2, (((1,), (1,)), ((), ())),
        preferred_element_type=jnp.float32)
    val = b2 - 2.0 * scores
    minval = jnp.min(val, axis=1, keepdims=True)
    ids = lax.broadcasted_iota(jnp.int32, (_TBLK, _K), 1)
    idx = jnp.min(jnp.where(val == minval, ids, _K),
                  axis=1, keepdims=True)
    idx_ref[0, :, :] = idx

    a2 = jnp.sum(t * t, axis=1, keepdims=True)
    part = jnp.sum(jnp.maximum(minval + a2, 0.0))

    @pl.when(i == 0)
    def _init():
        loss_ref[0, 0] = jnp.float32(0.0)

    loss_ref[0, 0] += part


def _vq_argmin(tokens, codebook):
    idx3, loss = pl.pallas_call(
        _vq_argmin_body,
        grid=(_NBLK,),
        in_specs=[
            pl.BlockSpec((_TBLK, _D), lambda i: (i, 0)),
            pl.BlockSpec((_K, _D), lambda i: (0, 0)),
        ],
        out_specs=[
            pl.BlockSpec((1, _TBLK, 1), lambda i: (i, 0, 0)),
            pl.BlockSpec(memory_space=pltpu.SMEM, block_shape=(1, 1),
                         index_map=lambda i: (0, 0)),
        ],
        out_shape=[
            jax.ShapeDtypeStruct((_NBLK, _TBLK, 1), jnp.int32),
            jax.ShapeDtypeStruct((1, 1), jnp.float32),
        ],
    )(tokens, codebook)
    return idx3.reshape(_B_TOK), loss[0, 0]


_LANE = 16
_TOK_GRP = _B_PER_W // _LANE
_D_VEC = _D // _LANE


@functools.cache
def _get_sc_gather():
    mesh = plsc.VectorSubcoreMesh(core_axis_name="c", subcore_axis_name="s")

    @functools.partial(
        pl.kernel,
        out_type=jax.ShapeDtypeStruct((_B_TOK * _D,), jnp.float32),
        mesh=mesh,
        scratch_types=[
            pltpu.VMEM((_K * _D,), jnp.float32),
            pltpu.VMEM((_B_PER_W,), jnp.int32),
            pltpu.VMEM((_B_PER_W * _D,), jnp.float32),
        ],
        compiler_params=pltpu.CompilerParams(
            use_tc_tiling_on_sc=False, needs_layout_passes=False),
    )
    def _sc_gather(cb_hbm, idx_hbm, out_hbm, cb_v, idx_v, rows_v):
        wid = lax.axis_index("s") * _NC + lax.axis_index("c")
        base = wid * _B_PER_W
        pltpu.sync_copy(cb_hbm, cb_v)
        pltpu.sync_copy(idx_hbm.at[pl.ds(base, _B_PER_W)], idx_v)
        lane = lax.broadcasted_iota(jnp.int32, (_LANE,), 0)

        def grp(g, carry):
            idx16 = idx_v[pl.ds(g * _LANE, _LANE)]
            src = idx16 * _D
            dst = (g * _LANE + lane) * _D
            for d in range(_D):
                vals = plsc.load_gather(cb_v, [src + d])
                plsc.store_scatter(rows_v, [dst + d], vals)
            return carry

        lax.fori_loop(0, _TOK_GRP, grp, 0)
        pltpu.sync_copy(rows_v, out_hbm.at[pl.ds(base * _D, _B_PER_W * _D)])

    return _sc_gather


def _conv2d(x, w, b, stride, pad):
    y = lax.conv_general_dilated(
        x, w, (stride, stride), ((pad, pad), (pad, pad)),
        dimension_numbers=("NCHW", "OIHW", "NCHW"))
    return y + b[None, :, None, None]


def _conv_transpose2d(x, w, b):
    wt = jnp.flip(w, axis=(2, 3)).transpose(1, 0, 2, 3)
    n, c, h, wd = x.shape
    co = wt.shape[0]
    xp = jnp.pad(x, ((0, 0), (0, 0), (0, 1), (0, 1)))

    def cv(ww):
        return lax.conv_general_dilated(
            xp, ww, (1, 1), ((0, 0), (0, 0)),
            dimension_numbers=("NCHW", "OIHW", "NCHW"))[:, :, :h, :wd]

    ee = cv(wt[:, :, 1:2, 1:2])
    eo = cv(wt[:, :, 1:2, 0:3:2])
    oe = cv(wt[:, :, 0:3:2, 1:2])
    oo = cv(wt[:, :, 0:3:2, 0:3:2])
    even = jnp.stack([ee, eo], axis=4)
    odd = jnp.stack([oe, oo], axis=4)
    y = jnp.stack([even, odd], axis=3)
    y = y.reshape(n, co, 2 * h, 2 * wd)
    return y + b[None, :, None, None]


def _batchnorm(x, g, b, eps=1e-5):
    mean = jnp.mean(x, axis=(0, 2, 3), keepdims=True)
    var = jnp.var(x, axis=(0, 2, 3), keepdims=True)
    return (x - mean) / jnp.sqrt(var + eps) * g[None, :, None, None] \
        + b[None, :, None, None]


def _leaky(x):
    return jnp.where(x >= 0, x, 0.1 * x)


def kernel(x, enc_w1, enc_b1, bn1_g, bn1_b, enc_w2, enc_b2, bn2_g, bn2_b,
           pq_w, pq_b, codebook, poq_w, poq_b,
           dec_w1, dec_b1, dbn1_g, dbn1_b, dec_w2, dec_b2, dbn2_g, dbn2_b,
           dec_w3, dec_b3):
    beta = 0.25
    h = _leaky(_batchnorm(_conv2d(x, enc_w1, enc_b1, 2, 1), bn1_g, bn1_b))
    h = _leaky(_batchnorm(_conv2d(h, enc_w2, enc_b2, 2, 1), bn2_g, bn2_b))
    pre_quant = _conv2d(h, pq_w, pq_b, 1, 1)
    bsz, cdim, hh, ww = pre_quant.shape
    tokens = pre_quant.transpose(0, 2, 3, 1).reshape(_B_TOK, _D)

    min_idx, loss_sum = _vq_argmin(tokens, codebook)
    quantized = _get_sc_gather()(codebook.reshape(-1), min_idx)
    quantized = quantized.reshape(_B_TOK, _D)

    quantized_loss = (1.0 + beta) * loss_sum / jnp.float32(_B_TOK * _D)

    q = quantized.reshape(bsz, hh, ww, cdim).transpose(0, 3, 1, 2)
    post = _conv2d(q, poq_w, poq_b, 1, 1)
    dh = _leaky(_batchnorm(_conv_transpose2d(post, dec_w1, dec_b1),
                           dbn1_g, dbn1_b))
    dh = _leaky(_batchnorm(_conv_transpose2d(dh, dec_w2, dec_b2),
                           dbn2_g, dbn2_b))
    out = jnp.tanh(_conv2d(dh, dec_w3, dec_b3, 1, 1))
    return (out, quantized_loss)

# --- scband reference (transcript-rebuilt; emitter-appended) ---
"""Pipeline reference for scband-vqvae-26671746908683 (READ-ONLY COPY).

The authoritative reference and input builder live on the scoring server;
editing this copy changes nothing except your own understanding.
"""

import jax, jax.numpy as jnp
import numpy as np


def conv2d(x, w, b, stride, pad):
    y = jax.lax.conv_general_dilated(x, w, (stride, stride), ((pad, pad), (pad, pad)),
                                     dimension_numbers=('NCHW', 'OIHW', 'NCHW'))
    return y + b[None, :, None, None]


def conv_transpose2d(x, w, b):
    # PyTorch ConvTranspose2d k=3, stride=2, padding=1, output_padding=1
    # w has PyTorch layout (in, out, kH, kW); flip spatially, transpose to OIHW
    wt = jnp.flip(w, axis=(2, 3)).transpose(1, 0, 2, 3)
    N, C, H, W = x.shape
    xd = jnp.zeros((N, C, 2 * H - 1, 2 * W - 1), dtype=x.dtype)
    xd = xd.at[:, :, ::2, ::2].set(x)
    y = jax.lax.conv_general_dilated(xd, wt, (1, 1), ((1, 2), (1, 2)),
                                     dimension_numbers=('NCHW', 'OIHW', 'NCHW'))
    return y + b[None, :, None, None]


def batchnorm(x, g, b, eps=1e-5):
    mean = jnp.mean(x, axis=(0, 2, 3), keepdims=True)
    var = jnp.var(x, axis=(0, 2, 3), keepdims=True)
    return (x - mean) / jnp.sqrt(var + eps) * g[None, :, None, None] + b[None, :, None, None]


def leaky(x):
    return jnp.where(x >= 0, x, 0.1 * x)


def setup_inputs(seed=0) -> dict:
    key = jax.random.key(seed)
    ks = jax.random.split(key, 16)
    s = 0.02
    d = {}
    d['x'] = jax.random.normal(ks[0], (8, 3, 224, 224), dtype=jnp.float32)
    d['enc_w1'] = jax.random.normal(ks[1], (16, 3, 3, 3), dtype=jnp.float32) * s
    d['enc_b1'] = jnp.zeros((16,), jnp.float32)
    d['bn1_g'] = jnp.ones((16,), jnp.float32)
    d['bn1_b'] = jnp.zeros((16,), jnp.float32)
    d['enc_w2'] = jax.random.normal(ks[2], (4, 16, 3, 3), dtype=jnp.float32) * s
    d['enc_b2'] = jnp.zeros((4,), jnp.float32)
    d['bn2_g'] = jnp.ones((4,), jnp.float32)
    d['bn2_b'] = jnp.zeros((4,), jnp.float32)
    d['pq_w'] = jax.random.normal(ks[3], (64, 4, 3, 3), dtype=jnp.float32) * s
    d['pq_b'] = jnp.zeros((64,), jnp.float32)
    d['codebook'] = jax.random.normal(ks[4], (1024, 64), dtype=jnp.float32)
    d['poq_w'] = jax.random.normal(ks[5], (4, 64, 3, 3), dtype=jnp.float32) * s
    d['poq_b'] = jnp.zeros((4,), jnp.float32)
    d['dec_w1'] = jax.random.normal(ks[6], (4, 16, 3, 3), dtype=jnp.float32) * s
    d['dec_b1'] = jnp.zeros((16,), jnp.float32)
    d['dbn1_g'] = jnp.ones((16,), jnp.float32)
    d['dbn1_b'] = jnp.zeros((16,), jnp.float32)
    d['dec_w2'] = jax.random.normal(ks[7], (16, 32, 3, 3), dtype=jnp.float32) * s
    d['dec_b2'] = jnp.zeros((32,), jnp.float32)
    d['dbn2_g'] = jnp.ones((32,), jnp.float32)
    d['dbn2_b'] = jnp.zeros((32,), jnp.float32)
    d['dec_w3'] = jax.random.normal(ks[8], (3, 32, 3, 3), dtype=jnp.float32) * s
    d['dec_b3'] = jnp.zeros((3,), jnp.float32)
    return d


def reference(x, enc_w1, enc_b1, bn1_g, bn1_b, enc_w2, enc_b2, bn2_g, bn2_b,
              pq_w, pq_b, codebook, poq_w, poq_b,
              dec_w1, dec_b1, dbn1_g, dbn1_b, dec_w2, dec_b2, dbn2_g, dbn2_b,
              dec_w3, dec_b3):
    cb_dim = codebook.shape[1]
    beta = 0.25
    h = leaky(batchnorm(conv2d(x, enc_w1, enc_b1, 2, 1), bn1_g, bn1_b))
    h = leaky(batchnorm(conv2d(h, enc_w2, enc_b2, 2, 1), bn2_g, bn2_b))
    pre_quant = conv2d(h, pq_w, pq_b, 1, 1)
    B, C, H, W = pre_quant.shape
    quant_input = pre_quant.transpose(0, 2, 3, 1).reshape(B, -1, C)
    a2 = jnp.sum(quant_input ** 2, axis=-1)[:, :, None]
    b2 = jnp.sum(codebook ** 2, axis=-1)[None, None, :]
    ab = jnp.einsum('btd,kd->btk', quant_input, codebook)
    dist = jnp.sqrt(jnp.maximum(a2 + b2 - 2.0 * ab, 0.0))
    min_indices = jnp.argmin(dist, axis=-1)
    quantized = jnp.take(codebook, min_indices.reshape(-1), axis=0)
    quant_input_flat = quant_input.reshape(-1, cb_dim)
    codebook_loss = jnp.mean((jax.lax.stop_gradient(quant_input_flat) - quantized) ** 2)
    commitment_loss = jnp.mean((jax.lax.stop_gradient(quantized) - quant_input_flat) ** 2)
    quantized_loss = codebook_loss + beta * commitment_loss
    q = quant_input_flat + jax.lax.stop_gradient(quantized - quant_input_flat)
    q = q.reshape(B, H, W, -1).transpose(0, 3, 1, 2)
    post = conv2d(q, poq_w, poq_b, 1, 1)
    dh = leaky(batchnorm(conv_transpose2d(post, dec_w1, dec_b1), dbn1_g, dbn1_b))
    dh = leaky(batchnorm(conv_transpose2d(dh, dec_w2, dec_b2), dbn2_g, dbn2_b))
    out = jnp.tanh(conv2d(dh, dec_w3, dec_b3, 1, 1))
    return (out, quantized_loss)

if __name__ == "__main__":
    import jax
    _d = setup_inputs()
    print(jax.jit(kernel)(*tuple(_d.values())))

</pallas_src>

<mosaic_0001>
#map = affine_map<(d0, d1) -> (0)>
module attributes {stable_mosaic.version = 14 : i64} {
  func.func @_sc_gather(%arg0: i32, %arg1: i32, %arg2: memref<65536xf32, #tpu.memory_space<hbm>>, %arg3: memref<25088xi32, #tpu.memory_space<hbm>>, %arg4: memref<1605632xf32, #tpu.memory_space<hbm>>, %arg5: memref<65536xf32, #tpu.memory_space<vmem>>, %arg6: memref<784xi32, #tpu.memory_space<vmem>>, %arg7: memref<50176xf32, #tpu.memory_space<vmem>>) attributes {dimension_semantics = [#tpu.dimension_semantics<core_parallel>, #tpu.dimension_semantics<subcore_parallel>], iteration_bounds = array<i64: 2, 16>, scalar_prefetch = 0 : i64, scratch_operands = 3 : i64, tpu.core_type = #tpu.core_type<sc_vector_subcore>, window_params = [{transform_indices = #map}, {transform_indices = #map}, {transform_indices = #map}]} {
    %mul3A = arith.constant 2 : i32
    %mul3A_0 = arith.muli %arg1, %mul3A : i32
    %add3A = arith.addi %mul3A_0, %arg0 : i32
    %mul3A_1 = arith.constant 784 : i32
    %mul3A_2 = arith.muli %add3A, %mul3A_1 : i32
    "tpu.region"() ({
      %run_scoped3A = tpu.sem_alloc : memref<!tpu.dma_semaphore, #tpu.memory_space<semaphore_mem>>
      tpu.enqueue_dma source(%arg2 : memref<65536xf32, #tpu.memory_space<hbm>>) target(%arg5 : memref<65536xf32, #tpu.memory_space<vmem>>) target_semaphore(%run_scoped3A : memref<!tpu.dma_semaphore, #tpu.memory_space<semaphore_mem>>)
      tpu.wait_dma2 semaphore(%run_scoped3A : memref<!tpu.dma_semaphore, #tpu.memory_space<semaphore_mem>>) src(%arg2 : memref<65536xf32, #tpu.memory_space<hbm>>) dst(%arg5 : memref<65536xf32, #tpu.memory_space<vmem>>)
      tpu.yield
    }) : () -> ()
    "tpu.region"() ({
      %run_scoped3A = tpu.sem_alloc : memref<!tpu.dma_semaphore, #tpu.memory_space<semaphore_mem>>
      %dma_start3A = tpu.memref_slice %arg3[%mul3A_2] : memref<25088xi32, #tpu.memory_space<hbm>> -> memref<784xi32, #tpu.memory_space<hbm>>
      %dma_start3A_10 = tpu.memref_slice %arg3[%mul3A_2] : memref<25088xi32, #tpu.memory_space<hbm>> -> memref<784xi32, #tpu.memory_space<hbm>>
      tpu.enqueue_dma source(%dma_start3A_10 : memref<784xi32, #tpu.memory_space<hbm>>) target(%arg6 : memref<784xi32, #tpu.memory_space<vmem>>) target_semaphore(%run_scoped3A : memref<!tpu.dma_semaphore, #tpu.memory_space<semaphore_mem>>)
      %dma_wait3A = tpu.memref_slice %arg3[%mul3A_2] : memref<25088xi32, #tpu.memory_space<hbm>> -> memref<784xi32, #tpu.memory_space<hbm>>
      %dma_wait3A_11 = tpu.memref_slice %arg3[%mul3A_2] : memref<25088xi32, #tpu.memory_space<hbm>> -> memref<784xi32, #tpu.memory_space<hbm>>
      tpu.wait_dma2 semaphore(%run_scoped3A : memref<!tpu.dma_semaphore, #tpu.memory_space<semaphore_mem>>) src(%dma_wait3A_11 : memref<784xi32, #tpu.memory_space<hbm>>) dst(%arg6 : memref<784xi32, #tpu.memory_space<vmem>>)
      tpu.yield
    }) : () -> ()
    %iota3A = tpu.iota {dimensions = array<i32: 0>} : vector<16xi32>
    %scan3A = arith.constant 0 : i32
    %scan3A_3 = arith.constant 0 : i32
    %scan3A_4 = arith.constant 49 : i32
    %scan3A_5 = arith.addi %scan3A_3, %scan3A_4 : i32
    %scan3A_6 = arith.constant 1 : i32
    scf.for %scan3A_10 = %scan3A_3 to %scan3A_5 step %scan3A_6  : i32 {
      %mul3A_11 = arith.constant 16 : i32
      %mul3A_12 = arith.muli %scan3A_10, %mul3A_11 : i32
      %get3A = arith.index_cast %mul3A_12 : i32 to index
      %get3A_13 = tpu.vector_load %arg6[%get3A] {strides = array<i32>} : memref<784xi32, #tpu.memory_space<vmem>>, vector<16xi32>,
      %mul3A_14 = arith.constant 64 : i32
      %mul3A_15 = vector.broadcast %mul3A_14 : i32 to vector<16xi32>
      %mul3A_16 = arith.muli %get3A_13, %mul3A_15 : vector<16xi32>
      %mul3A_17 = arith.constant 16 : i32
      %mul3A_18 = arith.muli %scan3A_10, %mul3A_17 : i32
      %add3A_19 = vector.broadcast %mul3A_18 : i32 to vector<16xi32>
      %add3A_20 = arith.addi %add3A_19, %iota3A : vector<16xi32>
      %mul3A_21 = arith.constant 64 : i32
      %mul3A_22 = vector.broadcast %mul3A_21 : i32 to vector<16xi32>
      %mul3A_23 = arith.muli %add3A_20, %mul3A_22 : vector<16xi32>
      %add3A_24 = arith.constant 0 : i32
      %add3A_25 = vector.broadcast %add3A_24 : i32 to vector<16xi32>
      %add3A_26 = arith.addi %mul3A_16, %add3A_25 : vector<16xi32>
      %gather3A = tpu.vector_load_idx %arg5[%add3A_26] : memref<65536xf32, #tpu.memory_space<vmem>>[vector<16xi32>], vector<16xf32>,
      %add3A_27 = arith.constant 0 : i32
      %add3A_28 = vector.broadcast %add3A_27 : i32 to vector<16xi32>
      %add3A_29 = arith.addi %mul3A_23, %add3A_28 : vector<16xi32>
      tpu.vector_store_idx %arg7[%add3A_29], %gather3A : memref<50176xf32, #tpu.memory_space<vmem>>[vector<16xi32>], vector<16xf32>,
      %add3A_30 = arith.constant 1 : i32
      %add3A_31 = vector.broadcast %add3A_30 : i32 to vector<16xi32>
      %add3A_32 = arith.addi %mul3A_16, %add3A_31 : vector<16xi32>
      %gather3A_33 = tpu.vector_load_idx %arg5[%add3A_32] : memref<65536xf32, #tpu.memory_space<vmem>>[vector<16xi32>], vector<16xf32>,
      %add3A_34 = arith.constant 1 : i32
      %add3A_35 = vector.broadcast %add3A_34 : i32 to vector<16xi32>
      %add3A_36 = arith.addi %mul3A_23, %add3A_35 : vector<16xi32>
      tpu.vector_store_idx %arg7[%add3A_36], %gather3A_33 : memref<50176xf32, #tpu.memory_space<vmem>>[vector<16xi32>], vector<16xf32>,
      %add3A_37 = arith.constant 2 : i32
      %add3A_38 = vector.broadcast %add3A_37 : i32 to vector<16xi32>
      %add3A_39 = arith.addi %mul3A_16, %add3A_38 : vector<16xi32>
      %gather3A_40 = tpu.vector_load_idx %arg5[%add3A_39] : memref<65536xf32, #tpu.memory_space<vmem>>[vector<16xi32>], vector<16xf32>,
      %add3A_41 = arith.constant 2 : i32
      %add3A_42 = vector.broadcast %add3A_41 : i32 to vector<16xi32>
      %add3A_43 = arith.addi %mul3A_23, %add3A_42 : vector<16xi32>
      tpu.vector_store_idx %arg7[%add3A_43], %gather3A_40 : memref<50176xf32, #tpu.memory_space<vmem>>[vector<16xi32>], vector<16xf32>,
      %add3A_44 = arith.constant 3 : i32
      %add3A_45 = vector.broadcast %add3A_44 : i32 to vector<16xi32>
      %add3A_46 = arith.addi %mul3A_16, %add3A_45 : vector<16xi32>
      %gather3A_47 = tpu.vector_load_idx %arg5[%add3A_46] : memref<65536xf32, #tpu.memory_space<vmem>>[vector<16xi32>], vector<16xf32>,
      %add3A_48 = arith.constant 3 : i32
      %add3A_49 = vector.broadcast %add3A_48 : i32 to vector<16xi32>
      %add3A_50 = arith.addi %mul3A_23, %add3A_49 : vector<16xi32>
      tpu.vector_store_idx %arg7[%add3A_50], %gather3A_47 : memref<50176xf32, #tpu.memory_space<vmem>>[vector<16xi32>], vector<16xf32>,
      %add3A_51 = arith.constant 4 : i32
      %add3A_52 = vector.broadcast %add3A_51 : i32 to vector<16xi32>
      %add3A_53 = arith.addi %mul3A_16, %add3A_52 : vector<16xi32>
      %gather3A_54 = tpu.vector_load_idx %arg5[%add3A_53] : memref<65536xf32, #tpu.memory_space<vmem>>[vector<16xi32>], vector<16xf32>,
      %add3A_55 = arith.constant 4 : i32
      %add3A_56 = vector.broadcast %add3A_55 : i32 to vector<16xi32>
      %add3A_57 = arith.addi %mul3A_23, %add3A_56 : vector<16xi32>
      tpu.vector_store_idx %arg7[%add3A_57], %gather3A_54 : memref<50176xf32, #tpu.memory_space<vmem>>[vector<16xi32>], vector<16xf32>,
      %add3A_58 = arith.constant 5 : i32
      %add3A_59 = vector.broadcast %add3A_58 : i32 to vector<16xi32>
      %add3A_60 = arith.addi %mul3A_16, %add3A_59 : vector<16xi32>
      %gather3A_61 = tpu.vector_load_idx %arg5[%add3A_60] : memref<65536xf32, #tpu.memory_space<vmem>>[vector<16xi32>], vector<16xf32>,
      %add3A_62 = arith.constant 5 : i32
      %add3A_63 = vector.broadcast %add3A_62 : i32 to vector<16xi32>
      %add3A_64 = arith.addi %mul3A_23, %add3A_63 : vector<16xi32>
      tpu.vector_store_idx %arg7[%add3A_64], %gather3A_61 : memref<50176xf32, #tpu.memory_space<vmem>>[vector<16xi32>], vector<16xf32>,
      %add3A_65 = arith.constant 6 : i32
      %add3A_66 = vector.broadcast %add3A_65 : i32 to vector<16xi32>
      %add3A_67 = arith.addi %mul3A_16, %add3A_66 : vector<16xi32>
      %gather3A_68 = tpu.vector_load_idx %arg5[%add3A_67] : memref<65536xf32, #tpu.memory_space<vmem>>[vector<16xi32>], vector<16xf32>,
      %add3A_69 = arith.constant 6 : i32
      %add3A_70 = vector.broadcast %add3A_69 : i32 to vector<16xi32>
      %add3A_71 = arith.addi %mul3A_23, %add3A_70 : vector<16xi32>
      tpu.vector_store_idx %arg7[%add3A_71], %gather3A_68 : memref<50176xf32, #tpu.memory_space<vmem>>[vector<16xi32>], vector<16xf32>,
      %add3A_72 = arith.constant 7 : i32
      %add3A_73 = vector.broadcast %add3A_72 : i32 to vector<16xi32>
      %add3A_74 = arith.addi %mul3A_16, %add3A_73 : vector<16xi32>
      %gather3A_75 = tpu.vector_load_idx %arg5[%add3A_74] : memref<65536xf32, #tpu.memory_space<vmem>>[vector<16xi32>], vector<16xf32>,
      %add3A_76 = arith.constant 7 : i32
      %add3A_77 = vector.broadcast %add3A_76 : i32 to vector<16xi32>
      %add3A_78 = arith.addi %mul3A_23, %add3A_77 : vector<16xi32>
      tpu.vector_store_idx %arg7[%add3A_78], %gather3A_75 : memref<50176xf32, #tpu.memory_space<vmem>>[vector<16xi32>], vector<16xf32>,
      %add3A_79 = arith.constant 8 : i32
      %add3A_80 = vector.broadcast %add3A_79 : i32 to vector<16xi32>
      %add3A_81 = arith.addi %mul3A_16, %add3A_80 : vector<16xi32>
      %gather3A_82 = tpu.vector_load_idx %arg5[%add3A_81] : memref<65536xf32, #tpu.memory_space<vmem>>[vector<16xi32>], vector<16xf32>,
      %add3A_83 = arith.constant 8 : i32
      %add3A_84 = vector.broadcast %add3A_83 : i32 to vector<16xi32>
      %add3A_85 = arith.addi %mul3A_23, %add3A_84 : vector<16xi32>
      tpu.vector_store_idx %arg7[%add3A_85], %gather3A_82 : memref<50176xf32, #tpu.memory_space<vmem>>[vector<16xi32>], vector<16xf32>,
      %add3A_86 = arith.constant 9 : i32
      %add3A_87 = vector.broadcast %add3A_86 : i32 to vector<16xi32>
      %add3A_88 = arith.addi %mul3A_16, %add3A_87 : vector<16xi32>
      %gather3A_89 = tpu.vector_load_idx %arg5[%add3A_88] : memref<65536xf32, #tpu.memory_space<vmem>>[vector<16xi32>], vector<16xf32>,
      %add3A_90 = arith.constant 9 : i32
      %add3A_91 = vector.broadcast %add3A_90 : i32 to vector<16xi32>
      %add3A_92 = arith.addi %mul3A_23, %add3A_91 : vector<16xi32>
      tpu.vector_store_idx %arg7[%add3A_92], %gather3A_89 : memref<50176xf32, #tpu.memory_space<vmem>>[vector<16xi32>], vector<16xf32>,
      %add3A_93 = arith.constant 10 : i32
      %add3A_94 = vector.broadcast %add3A_93 : i32 to vector<16xi32>
      %add3A_95 = arith.addi %mul3A_16, %add3A_94 : vector<16xi32>
      %gather3A_96 = tpu.vector_load_idx %arg5[%add3A_95] : memref<65536xf32, #tpu.memory_space<vmem>>[vector<16xi32>], vector<16xf32>,
      %add3A_97 = arith.constant 10 : i32
      %add3A_98 = vector.broadcast %add3A_97 : i32 to vector<16xi32>
      %add3A_99 = arith.addi %mul3A_23, %add3A_98 : vector<16xi32>
      tpu.vector_store_idx %arg7[%add3A_99], %gather3A_96 : memref<50176xf32, #tpu.memory_space<vmem>>[vector<16xi32>], vector<16xf32>,
      %add3A_100 = arith.constant 11 : i32
      %add3A_101 = vector.broadcast %add3A_100 : i32 to vector<16xi32>
      %add3A_102 = arith.addi %mul3A_16, %add3A_101 : vector<16xi32>
      %gather3A_103 = tpu.vector_load_idx %arg5[%add3A_102] : memref<65536xf32, #tpu.memory_space<vmem>>[vector<16xi32>], vector<16xf32>,
      %add3A_104 = arith.constant 11 : i32
      %add3A_105 = vector.broadcast %add3A_104 : i32 to vector<16xi32>
      %add3A_106 = arith.addi %mul3A_23, %add3A_105 : vector<16xi32>
      tpu.vector_store_idx %arg7[%add3A_106], %gather3A_103 : memref<50176xf32, #tpu.memory_space<vmem>>[vector<16xi32>], vector<16xf32>,
      %add3A_107 = arith.constant 12 : i32
      %add3A_108 = vector.broadcast %add3A_107 : i32 to vector<16xi32>
      %add3A_109 = arith.addi %mul3A_16, %add3A_108 : vector<16xi32>
      %gather3A_110 = tpu.vector_load_idx %arg5[%add3A_109] : memref<65536xf32, #tpu.memory_space<vmem>>[vector<16xi32>], vector<16xf32>,
      %add3A_111 = arith.constant 12 : i32
      %add3A_112 = vector.broadcast %add3A_111 : i32 to vector<16xi32>
      %add3A_113 = arith.addi %mul3A_23, %add3A_112 : vector<16xi32>
      tpu.vector_store_idx %arg7[%add3A_113], %gather3A_110 : memref<50176xf32, #tpu.memory_space<vmem>>[vector<16xi32>], vector<16xf32>,
      %add3A_114 = arith.constant 13 : i32
      %add3A_115 = vector.broadcast %add3A_114 : i32 to vector<16xi32>
      %add3A_116 = arith.addi %mul3A_16, %add3A_115 : vector<16xi32>
      %gather3A_117 = tpu.vector_load_idx %arg5[%add3A_116] : memref<65536xf32, #tpu.memory_space<vmem>>[vector<16xi32>], vector<16xf32>,
      %add3A_118 = arith.constant 13 : i32
      %add3A_119 = vector.broadcast %add3A_118 : i32 to vector<16xi32>
      %add3A_120 = arith.addi %mul3A_23, %add3A_119 : vector<16xi32>
      tpu.vector_store_idx %arg7[%add3A_120], %gather3A_117 : memref<50176xf32, #tpu.memory_space<vmem>>[vector<16xi32>], vector<16xf32>,
      %add3A_121 = arith.constant 14 : i32
      %add3A_122 = vector.broadcast %add3A_121 : i32 to vector<16xi32>
      %add3A_123 = arith.addi %mul3A_16, %add3A_122 : vector<16xi32>
      %gather3A_124 = tpu.vector_load_idx %arg5[%add3A_123] : memref<65536xf32, #tpu.memory_space<vmem>>[vector<16xi32>], vector<16xf32>,
      %add3A_125 = arith.constant 14 : i32
      %add3A_126 = vector.broadcast %add3A_125 : i32 to vector<16xi32>
      %add3A_127 = arith.addi %mul3A_23, %add3A_126 : vector<16xi32>
      tpu.vector_store_idx %arg7[%add3A_127], %gather3A_124 : memref<50176xf32, #tpu.memory_space<vmem>>[vector<16xi32>], vector<16xf32>,
      %add3A_128 = arith.constant 15 : i32
      %add3A_129 = vector.broadcast %add3A_128 : i32 to vector<16xi32>
      %add3A_130 = arith.addi %mul3A_16, %add3A_129 : vector<16xi32>
      %gather3A_131 = tpu.vector_load_idx %arg5[%add3A_130] : memref<65536xf32, #tpu.memory_space<vmem>>[vector<16xi32>], vector<16xf32>,
      %add3A_132 = arith.constant 15 : i32
      %add3A_133 = vector.broadcast %add3A_132 : i32 to vector<16xi32>
      %add3A_134 = arith.addi %mul3A_23, %add3A_133 : vector<16xi32>
      tpu.vector_store_idx %arg7[%add3A_134], %gather3A_131 : memref<50176xf32, #tpu.memory_space<vmem>>[vector<16xi32>], vector<16xf32>,
      %add3A_135 = arith.constant 16 : i32
      %add3A_136 = vector.broadcast %add3A_135 : i32 to vector<16xi32>
      %add3A_137 = arith.addi %mul3A_16, %add3A_136 : vector<16xi32>
      %gather3A_138 = tpu.vector_load_idx %arg5[%add3A_137] : memref<65536xf32, #tpu.memory_space<vmem>>[vector<16xi32>], vector<16xf32>,
      %add3A_139 = arith.constant 16 : i32
      %add3A_140 = vector.broadcast %add3A_139 : i32 to vector<16xi32>
      %add3A_141 = arith.addi %mul3A_23, %add3A_140 : vector<16xi32>
      tpu.vector_store_idx %arg7[%add3A_141], %gather3A_138 : memref<50176xf32, #tpu.memory_space<vmem>>[vector<16xi32>], vector<16xf32>,
      %add3A_142 = arith.constant 17 : i32
      %add3A_143 = vector.broadcast %add3A_142 : i32 to vector<16xi32>
      %add3A_144 = arith.addi %mul3A_16, %add3A_143 : vector<16xi32>
      %gather3A_145 = tpu.vector_load_idx %arg5[%add3A_144] : memref<65536xf32, #tpu.memory_space<vmem>>[vector<16xi32>], vector<16xf32>,
      %add3A_146 = arith.constant 17 : i32
      %add3A_147 = vector.broadcast %add3A_146 : i32 to vector<16xi32>
      %add3A_148 = arith.addi %mul3A_23, %add3A_147 : vector<16xi32>
      tpu.vector_store_idx %arg7[%add3A_148], %gather3A_145 : memref<50176xf32, #tpu.memory_space<vmem>>[vector<16xi32>], vector<16xf32>,
      %add3A_149 = arith.constant 18 : i32
      %add3A_150 = vector.broadcast %add3A_149 : i32 to vector<16xi32>
      %add3A_151 = arith.addi %mul3A_16, %add3A_150 : vector<16xi32>
      %gather3A_152 = tpu.vector_load_idx %arg5[%add3A_151] : memref<65536xf32, #tpu.memory_space<vmem>>[vector<16xi32>], vector<16xf32>,
      %add3A_153 = arith.constant 18 : i32
      %add3A_154 = vector.broadcast %add3A_153 : i32 to vector<16xi32>
      %add3A_155 = arith.addi %mul3A_23, %add3A_154 : vector<16xi32>
      tpu.vector_store_idx %arg7[%add3A_155], %gather3A_152 : memref<50176xf32, #tpu.memory_space<vmem>>[vector<16xi32>], vector<16xf32>,
      %add3A_156 = arith.constant 19 : i32
      %add3A_157 = vector.broadcast %add3A_156 : i32 to vector<16xi32>
      %add3A_158 = arith.addi %mul3A_16, %add3A_157 : vector<16xi32>
      %gather3A_159 = tpu.vector_load_idx %arg5[%add3A_158] : memref<65536xf32, #tpu.memory_space<vmem>>[vector<16xi32>], vector<16xf32>,
      %add3A_160 = arith.constant 19 : i32
      %add3A_161 = vector.broadcast %add3A_160 : i32 to vector<16xi32>
      %add3A_162 = arith.addi %mul3A_23, %add3A_161 : vector<16xi32>
      tpu.vector_store_idx %arg7[%add3A_162], %gather3A_159 : memref<50176xf32, #tpu.memory_space<vmem>>[vector<16xi32>], vector<16xf32>,
      %add3A_163 = arith.constant 20 : i32
      %add3A_164 = vector.broadcast %add3A_163 : i32 to vector<16xi32>
      %add3A_165 = arith.addi %mul3A_16, %add3A_164 : vector<16xi32>
      %gather3A_166 = tpu.vector_load_idx %arg5[%add3A_165] : memref<65536xf32, #tpu.memory_space<vmem>>[vector<16xi32>], vector<16xf32>,
      %add3A_167 = arith.constant 20 : i32
      %add3A_168 = vector.broadcast %add3A_167 : i32 to vector<16xi32>
      %add3A_169 = arith.addi %mul3A_23, %add3A_168 : vector<16xi32>
      tpu.vector_store_idx %arg7[%add3A_169], %gather3A_166 : memref<50176xf32, #tpu.memory_space<vmem>>[vector<16xi32>], vector<16xf32>,
      %add3A_170 = arith.constant 21 : i32
      %add3A_171 = vector.broadcast %add3A_170 : i32 to vector<16xi32>
      %add3A_172 = arith.addi %mul3A_16, %add3A_171 : vector<16xi32>
      %gather3A_173 = tpu.vector_load_idx %arg5[%add3A_172] : memref<65536xf32, #tpu.memory_space<vmem>>[vector<16xi32>], vector<16xf32>,
      %add3A_174 = arith.constant 21 : i32
      %add3A_175 = vector.broadcast %add3A_174 : i32 to vector<16xi32>
      %add3A_176 = arith.addi %mul3A_23, %add3A_175 : vector<16xi32>
      tpu.vector_store_idx %arg7[%add3A_176], %gather3A_173 : memref<50176xf32, #tpu.memory_space<vmem>>[vector<16xi32>], vector<16xf32>,
      %add3A_177 = arith.constant 22 : i32
      %add3A_178 = vector.broadcast %add3A_177 : i32 to vector<16xi32>
      %add3A_179 = arith.addi %mul3A_16, %add3A_178 : vector<16xi32>
      %gather3A_180 = tpu.vector_load_idx %arg5[%add3A_179] : memref<65536xf32, #tpu.memory_space<vmem>>[vector<16xi32>], vector<16xf32>,
      %add3A_181 = arith.constant 22 : i32
      %add3A_182 = vector.broadcast %add3A_181 : i32 to vector<16xi32>
      %add3A_183 = arith.addi %mul3A_23, %add3A_182 : vector<16xi32>
      tpu.vector_store_idx %arg7[%add3A_183], %gather3A_180 : memref<50176xf32, #tpu.memory_space<vmem>>[vector<16xi32>], vector<16xf32>,
      %add3A_184 = arith.constant 23 : i32
      %add3A_185 = vector.broadcast %add3A_184 : i32 to vector<16xi32>
      %add3A_186 = arith.addi %mul3A_16, %add3A_185 : vector<16xi32>
      %gather3A_187 = tpu.vector_load_idx %arg5[%add3A_186] : memref<65536xf32, #tpu.memory_space<vmem>>[vector<16xi32>], vector<16xf32>,
      %add3A_188 = arith.constant 23 : i32
      %add3A_189 = vector.broadcast %add3A_188 : i32 to vector<16xi32>
      %add3A_190 = arith.addi %mul3A_23, %add3A_189 : vector<16xi32>
      tpu.vector_store_idx %arg7[%add3A_190], %gather3A_187 : memref<50176xf32, #tpu.memory_space<vmem>>[vector<16xi32>], vector<16xf32>,
      %add3A_191 = arith.constant 24 : i32
      %add3A_192 = vector.broadcast %add3A_191 : i32 to vector<16xi32>
      %add3A_193 = arith.addi %mul3A_16, %add3A_192 : vector<16xi32>
      %gather3A_194 = tpu.vector_load_idx %arg5[%add3A_193] : memref<65536xf32, #tpu.memory_space<vmem>>[vector<16xi32>], vector<16xf32>,
      %add3A_195 = arith.constant 24 : i32
      %add3A_196 = vector.broadcast %add3A_195 : i32 to vector<16xi32>
      %add3A_197 = arith.addi %mul3A_23, %add3A_196 : vector<16xi32>
      tpu.vector_store_idx %arg7[%add3A_197], %gather3A_194 : memref<50176xf32, #tpu.memory_space<vmem>>[vector<16xi32>], vector<16xf32>,
      %add3A_198 = arith.constant 25 : i32
      %add3A_199 = vector.broadcast %add3A_198 : i32 to vector<16xi32>
      %add3A_200 = arith.addi %mul3A_16, %add3A_199 : vector<16xi32>
      %gather3A_201 = tpu.vector_load_idx %arg5[%add3A_200] : memref<65536xf32, #tpu.memory_space<vmem>>[vector<16xi32>], vector<16xf32>,
      %add3A_202 = arith.constant 25 : i32
      %add3A_203 = vector.broadcast %add3A_202 : i32 to vector<16xi32>
      %add3A_204 = arith.addi %mul3A_23, %add3A_203 : vector<16xi32>
      tpu.vector_store_idx %arg7[%add3A_204], %gather3A_201 : memref<50176xf32, #tpu.memory_space<vmem>>[vector<16xi32>], vector<16xf32>,
      %add3A_205 = arith.constant 26 : i32
      %add3A_206 = vector.broadcast %add3A_205 : i32 to vector<16xi32>
      %add3A_207 = arith.addi %mul3A_16, %add3A_206 : vector<16xi32>
      %gather3A_208 = tpu.vector_load_idx %arg5[%add3A_207] : memref<65536xf32, #tpu.memory_space<vmem>>[vector<16xi32>], vector<16xf32>,
      %add3A_209 = arith.constant 26 : i32
      %add3A_210 = vector.broadcast %add3A_209 : i32 to vector<16xi32>
      %add3A_211 = arith.addi %mul3A_23, %add3A_210 : vector<16xi32>
      tpu.vector_store_idx %arg7[%add3A_211], %gather3A_208 : memref<50176xf32, #tpu.memory_space<vmem>>[vector<16xi32>], vector<16xf32>,
      %add3A_212 = arith.constant 27 : i32
      %add3A_213 = vector.broadcast %add3A_212 : i32 to vector<16xi32>
      %add3A_214 = arith.addi %mul3A_16, %add3A_213 : vector<16xi32>
      %gather3A_215 = tpu.vector_load_idx %arg5[%add3A_214] : memref<65536xf32, #tpu.memory_space<vmem>>[vector<16xi32>], vector<16xf32>,
      %add3A_216 = arith.constant 27 : i32
      %add3A_217 = vector.broadcast %add3A_216 : i32 to vector<16xi32>
      %add3A_218 = arith.addi %mul3A_23, %add3A_217 : vector<16xi32>
      tpu.vector_store_idx %arg7[%add3A_218], %gather3A_215 : memref<50176xf32, #tpu.memory_space<vmem>>[vector<16xi32>], vector<16xf32>,
      %add3A_219 = arith.constant 28 : i32
      %add3A_220 = vector.broadcast %add3A_219 : i32 to vector<16xi32>
      %add3A_221 = arith.addi %mul3A_16, %add3A_220 : vector<16xi32>
      %gather3A_222 = tpu.vector_load_idx %arg5[%add3A_221] : memref<65536xf32, #tpu.memory_space<vmem>>[vector<16xi32>], vector<16xf32>,
      %add3A_223 = arith.constant 28 : i32
      %add3A_224 = vector.broadcast %add3A_223 : i32 to vector<16xi32>
      %add3A_225 = arith.addi %mul3A_23, %add3A_224 : vector<16xi32>
      tpu.vector_store_idx %arg7[%add3A_225], %gather3A_222 : memref<50176xf32, #tpu.memory_space<vmem>>[vector<16xi32>], vector<16xf32>,
      %add3A_226 = arith.constant 29 : i32
      %add3A_227 = vector.broadcast %add3A_226 : i32 to vector<16xi32>
      %add3A_228 = arith.addi %mul3A_16, %add3A_227 : vector<16xi32>
      %gather3A_229 = tpu.vector_load_idx %arg5[%add3A_228] : memref<65536xf32, #tpu.memory_space<vmem>>[vector<16xi32>], vector<16xf32>,
      %add3A_230 = arith.constant 29 : i32
      %add3A_231 = vector.broadcast %add3A_230 : i32 to vector<16xi32>
      %add3A_232 = arith.addi %mul3A_23, %add3A_231 : vector<16xi32>
      tpu.vector_store_idx %arg7[%add3A_232], %gather3A_229 : memref<50176xf32, #tpu.memory_space<vmem>>[vector<16xi32>], vector<16xf32>,
      %add3A_233 = arith.constant 30 : i32
      %add3A_234 = vector.broadcast %add3A_233 : i32 to vector<16xi32>
      %add3A_235 = arith.addi %mul3A_16, %add3A_234 : vector<16xi32>
      %gather3A_236 = tpu.vector_load_idx %arg5[%add3A_235] : memref<65536xf32, #tpu.memory_space<vmem>>[vector<16xi32>], vector<16xf32>,
      %add3A_237 = arith.constant 30 : i32
      %add3A_238 = vector.broadcast %add3A_237 : i32 to vector<16xi32>
      %add3A_239 = arith.addi %mul3A_23, %add3A_238 : vector<16xi32>
      tpu.vector_store_idx %arg7[%add3A_239], %gather3A_236 : memref<50176xf32, #tpu.memory_space<vmem>>[vector<16xi32>], vector<16xf32>,
      %add3A_240 = arith.constant 31 : i32
      %add3A_241 = vector.broadcast %add3A_240 : i32 to vector<16xi32>
      %add3A_242 = arith.addi %mul3A_16, %add3A_241 : vector<16xi32>
      %gather3A_243 = tpu.vector_load_idx %arg5[%add3A_242] : memref<65536xf32, #tpu.memory_space<vmem>>[vector<16xi32>], vector<16xf32>,
      %add3A_244 = arith.constant 31 : i32
      %add3A_245 = vector.broadcast %add3A_244 : i32 to vector<16xi32>
      %add3A_246 = arith.addi %mul3A_23, %add3A_245 : vector<16xi32>
      tpu.vector_store_idx %arg7[%add3A_246], %gather3A_243 : memref<50176xf32, #tpu.memory_space<vmem>>[vector<16xi32>], vector<16xf32>,
      %add3A_247 = arith.constant 32 : i32
      %add3A_248 = vector.broadcast %add3A_247 : i32 to vector<16xi32>
      %add3A_249 = arith.addi %mul3A_16, %add3A_248 : vector<16xi32>
      %gather3A_250 = tpu.vector_load_idx %arg5[%add3A_249] : memref<65536xf32, #tpu.memory_space<vmem>>[vector<16xi32>], vector<16xf32>,
      %add3A_251 = arith.constant 32 : i32
      %add3A_252 = vector.broadcast %add3A_251 : i32 to vector<16xi32>
      %add3A_253 = arith.addi %mul3A_23, %add3A_252 : vector<16xi32>
      tpu.vector_store_idx %arg7[%add3A_253], %gather3A_250 : memref<50176xf32, #tpu.memory_space<vmem>>[vector<16xi32>], vector<16xf32>,
      %add3A_254 = arith.constant 33 : i32
      %add3A_255 = vector.broadcast %add3A_254 : i32 to vector<16xi32>
      %add3A_256 = arith.addi %mul3A_16, %add3A_255 : vector<16xi32>
      %gather3A_257 = tpu.vector_load_idx %arg5[%add3A_256] : memref<65536xf32, #tpu.memory_space<vmem>>[vector<16xi32>], vector<16xf32>,
      %add3A_258 = arith.constant 33 : i32
      %add3A_259 = vector.broadcast %add3A_258 : i32 to vector<16xi32>
      %add3A_260 = arith.addi %mul3A_23, %add3A_259 : vector<16xi32>
      tpu.vector_store_idx %arg7[%add3A_260], %gather3A_257 : memref<50176xf32, #tpu.memory_space<vmem>>[vector<16xi32>], vector<16xf32>,
      %add3A_261 = arith.constant 34 : i32
      %add3A_262 = vector.broadcast %add3A_261 : i32 to vector<16xi32>
      %add3A_263 = arith.addi %mul3A_16, %add3A_262 : vector<16xi32>
      %gather3A_264 = tpu.vector_load_idx %arg5[%add3A_263] : memref<65536xf32, #tpu.memory_space<vmem>>[vector<16xi32>], vector<16xf32>,
      %add3A_265 = arith.constant 34 : i32
      %add3A_266 = vector.broadcast %add3A_265 : i32 to vector<16xi32>
      %add3A_267 = arith.addi %mul3A_23, %add3A_266 : vector<16xi32>
      tpu.vector_store_idx %arg7[%add3A_267], %gather3A_264 : memref<50176xf32, #tpu.memory_space<vmem>>[vector<16xi32>], vector<16xf32>,
      %add3A_268 = arith.constant 35 : i32
      %add3A_269 = vector.broadcast %add3A_268 : i32 to vector<16xi32>
      %add3A_270 = arith.addi %mul3A_16, %add3A_269 : vector<16xi32>
      %gather3A_271 = tpu.vector_load_idx %arg5[%add3A_270] : memref<65536xf32, #tpu.memory_space<vmem>>[vector<16xi32>], vector<16xf32>,
      %add3A_272 = arith.constant 35 : i32
      %add3A_273 = vector.broadcast %add3A_272 : i32 to vector<16xi32>
      %add3A_274 = arith.addi %mul3A_23, %add3A_273 : vector<16xi32>
      tpu.vector_store_idx %arg7[%add3A_274], %gather3A_271 : memref<50176xf32, #tpu.memory_space<vmem>>[vector<16xi32>], vector<16xf32>,
      %add3A_275 = arith.constant 36 : i32
      %add3A_276 = vector.broadcast %add3A_275 : i32 to vector<16xi32>
      %add3A_277 = arith.addi %mul3A_16, %add3A_276 : vector<16xi32>
      %gather3A_278 = tpu.vector_load_idx %arg5[%add3A_277] : memref<65536xf32, #tpu.memory_space<vmem>>[vector<16xi32>], vector<16xf32>,
      %add3A_279 = arith.constant 36 : i32
      %add3A_280 = vector.broadcast %add3A_279 : i32 to vector<16xi32>
      %add3A_281 = arith.addi %mul3A_23, %add3A_280 : vector<16xi32>
      tpu.vector_store_idx %arg7[%add3A_281], %gather3A_278 : memref<50176xf32, #tpu.memory_space<vmem>>[vector<16xi32>], vector<16xf32>,
      %add3A_282 = arith.constant 37 : i32
      %add3A_283 = vector.broadcast %add3A_282 : i32 to vector<16xi32>
      %add3A_284 = arith.addi %mul3A_16, %add3A_283 : vector<16xi32>
      %gather3A_285 = tpu.vector_load_idx %arg5[%add3A_284] : memref<65536xf32, #tpu.memory_space<vmem>>[vector<16xi32>], vector<16xf32>,
      %add3A_286 = arith.constant 37 : i32
      %add3A_287 = vector.broadcast %add3A_286 : i32 to vector<16xi32>
      %add3A_288 = arith.addi %mul3A_23, %add3A_287 : vector<16xi32>
      tpu.vector_store_idx %arg7[%add3A_288], %gather3A_285 : memref<50176xf32, #tpu.memory_space<vmem>>[vector<16xi32>], vector<16xf32>,
      %add3A_289 = arith.constant 38 : i32
      %add3A_290 = vector.broadcast %add3A_289 : i32 to vector<16xi32>
      %add3A_291 = arith.addi %mul3A_16, %add3A_290 : vector<16xi32>
      %gather3A_292 = tpu.vector_load_idx %arg5[%add3A_291] : memref<65536xf32, #tpu.memory_space<vmem>>[vector<16xi32>], vector<16xf32>,
      %add3A_293 = arith.constant 38 : i32
      %add3A_294 = vector.broadcast %add3A_293 : i32 to vector<16xi32>
      %add3A_295 = arith.addi %mul3A_23, %add3A_294 : vector<16xi32>
      tpu.vector_store_idx %arg7[%add3A_295], %gather3A_292 : memref<50176xf32, #tpu.memory_space<vmem>>[vector<16xi32>], vector<16xf32>,
      %add3A_296 = arith.constant 39 : i32
      %add3A_297 = vector.broadcast %add3A_296 : i32 to vector<16xi32>
      %add3A_298 = arith.addi %mul3A_16, %add3A_297 : vector<16xi32>
      %gather3A_299 = tpu.vector_load_idx %arg5[%add3A_298] : memref<65536xf32, #tpu.memory_space<vmem>>[vector<16xi32>], vector<16xf32>,
      %add3A_300 = arith.constant 39 : i32
      %add3A_301 = vector.broadcast %add3A_300 : i32 to vector<16xi32>
      %add3A_302 = arith.addi %mul3A_23, %add3A_301 : vector<16xi32>
      tpu.vector_store_idx %arg7[%add3A_302], %gather3A_299 : memref<50176xf32, #tpu.memory_space<vmem>>[vector<16xi32>], vector<16xf32>,
      %add3A_303 = arith.constant 40 : i32
      %add3A_304 = vector.broadcast %add3A_303 : i32 to vector<16xi32>
      %add3A_305 = arith.addi %mul3A_16, %add3A_304 : vector<16xi32>
      %gather3A_306 = tpu.vector_load_idx %arg5[%add3A_305] : memref<65536xf32, #tpu.memory_space<vmem>>[vector<16xi32>], vector<16xf32>,
      %add3A_307 = arith.constant 40 : i32
      %add3A_308 = vector.broadcast %add3A_307 : i32 to vector<16xi32>
      %add3A_309 = arith.addi %mul3A_23, %add3A_308 : vector<16xi32>
      tpu.vector_store_idx %arg7[%add3A_309], %gather3A_306 : memref<50176xf32, #tpu.memory_space<vmem>>[vector<16xi32>], vector<16xf32>,
      %add3A_310 = arith.constant 41 : i32
      %add3A_311 = vector.broadcast %add3A_310 : i32 to vector<16xi32>
      %add3A_312 = arith.addi %mul3A_16, %add3A_311 : vector<16xi32>
      %gather3A_313 = tpu.vector_load_idx %arg5[%add3A_312] : memref<65536xf32, #tpu.memory_space<vmem>>[vector<16xi32>], vector<16xf32>,
      %add3A_314 = arith.constant 41 : i32
      %add3A_315 = vector.broadcast %add3A_314 : i32 to vector<16xi32>
      %add3A_316 = arith.addi %mul3A_23, %add3A_315 : vector<16xi32>
      tpu.vector_store_idx %arg7[%add3A_316], %gather3A_313 : memref<50176xf32, #tpu.memory_space<vmem>>[vector<16xi32>], vector<16xf32>,
      %add3A_317 = arith.constant 42 : i32
      %add3A_318 = vector.broadcast %add3A_317 : i32 to vector<16xi32>
      %add3A_319 = arith.addi %mul3A_16, %add3A_318 : vector<16xi32>
      %gather3A_320 = tpu.vector_load_idx %arg5[%add3A_319] : memref<65536xf32, #tpu.memory_space<vmem>>[vector<16xi32>], vector<16xf32>,
      %add3A_321 = arith.constant 42 : i32
      %add3A_322 = vector.broadcast %add3A_321 : i32 to vector<16xi32>
      %add3A_323 = arith.addi %mul3A_23, %add3A_322 : vector<16xi32>
      tpu.vector_store_idx %arg7[%add3A_323], %gather3A_320 : memref<50176xf32, #tpu.memory_space<vmem>>[vector<16xi32>], vector<16xf32>,
      %add3A_324 = arith.constant 43 : i32
      %add3A_325 = vector.broadcast %add3A_324 : i32 to vector<16xi32>
      %add3A_326 = arith.addi %mul3A_16, %add3A_325 : vector<16xi32>
      %gather3A_327 = tpu.vector_load_idx %arg5[%add3A_326] : memref<65536xf32, #tpu.memory_space<vmem>>[vector<16xi32>], vector<16xf32>,
      %add3A_328 = arith.constant 43 : i32
      %add3A_329 = vector.broadcast %add3A_328 : i32 to vector<16xi32>
      %add3A_330 = arith.addi %mul3A_23, %add3A_329 : vector<16xi32>
      tpu.vector_store_idx %arg7[%add3A_330], %gather3A_327 : memref<50176xf32, #tpu.memory_space<vmem>>[vector<16xi32>], vector<16xf32>,
      %add3A_331 = arith.constant 44 : i32
      %add3A_332 = vector.broadcast %add3A_331 : i32 to vector<16xi32>
      %add3A_333 = arith.addi %mul3A_16, %add3A_332 : vector<16xi32>
      %gather3A_334 = tpu.vector_load_idx %arg5[%add3A_333] : memref<65536xf32, #tpu.memory_space<vmem>>[vector<16xi32>], vector<16xf32>,
      %add3A_335 = arith.constant 44 : i32
      %add3A_336 = vector.broadcast %add3A_335 : i32 to vector<16xi32>
      %add3A_337 = arith.addi %mul3A_23, %add3A_336 : vector<16xi32>
      tpu.vector_store_idx %arg7[%add3A_337], %gather3A_334 : memref<50176xf32, #tpu.memory_space<vmem>>[vector<16xi32>], vector<16xf32>,
      %add3A_338 = arith.constant 45 : i32
      %add3A_339 = vector.broadcast %add3A_338 : i32 to vector<16xi32>
      %add3A_340 = arith.addi %mul3A_16, %add3A_339 : vector<16xi32>
      %gather3A_341 = tpu.vector_load_idx %arg5[%add3A_340] : memref<65536xf32, #tpu.memory_space<vmem>>[vector<16xi32>], vector<16xf32>,
      %add3A_342 = arith.constant 45 : i32
      %add3A_343 = vector.broadcast %add3A_342 : i32 to vector<16xi32>
      %add3A_344 = arith.addi %mul3A_23, %add3A_343 : vector<16xi32>
      tpu.vector_store_idx %arg7[%add3A_344], %gather3A_341 : memref<50176xf32, #tpu.memory_space<vmem>>[vector<16xi32>], vector<16xf32>,
      %add3A_345 = arith.constant 46 : i32
      %add3A_346 = vector.broadcast %add3A_345 : i32 to vector<16xi32>
      %add3A_347 = arith.addi %mul3A_16, %add3A_346 : vector<16xi32>
      %gather3A_348 = tpu.vector_load_idx %arg5[%add3A_347] : memref<65536xf32, #tpu.memory_space<vmem>>[vector<16xi32>], vector<16xf32>,
      %add3A_349 = arith.constant 46 : i32
      %add3A_350 = vector.broadcast %add3A_349 : i32 to vector<16xi32>
      %add3A_351 = arith.addi %mul3A_23, %add3A_350 : vector<16xi32>
      tpu.vector_store_idx %arg7[%add3A_351], %gather3A_348 : memref<50176xf32, #tpu.memory_space<vmem>>[vector<16xi32>], vector<16xf32>,
      %add3A_352 = arith.constant 47 : i32
      %add3A_353 = vector.broadcast %add3A_352 : i32 to vector<16xi32>
      %add3A_354 = arith.addi %mul3A_16, %add3A_353 : vector<16xi32>
      %gather3A_355 = tpu.vector_load_idx %arg5[%add3A_354] : memref<65536xf32, #tpu.memory_space<vmem>>[vector<16xi32>], vector<16xf32>,
      %add3A_356 = arith.constant 47 : i32
      %add3A_357 = vector.broadcast %add3A_356 : i32 to vector<16xi32>
      %add3A_358 = arith.addi %mul3A_23, %add3A_357 : vector<16xi32>
      tpu.vector_store_idx %arg7[%add3A_358], %gather3A_355 : memref<50176xf32, #tpu.memory_space<vmem>>[vector<16xi32>], vector<16xf32>,
      %add3A_359 = arith.constant 48 : i32
      %add3A_360 = vector.broadcast %add3A_359 : i32 to vector<16xi32>
      %add3A_361 = arith.addi %mul3A_16, %add3A_360 : vector<16xi32>
      %gather3A_362 = tpu.vector_load_idx %arg5[%add3A_361] : memref<65536xf32, #tpu.memory_space<vmem>>[vector<16xi32>], vector<16xf32>,
      %add3A_363 = arith.constant 48 : i32
      %add3A_364 = vector.broadcast %add3A_363 : i32 to vector<16xi32>
      %add3A_365 = arith.addi %mul3A_23, %add3A_364 : vector<16xi32>
      tpu.vector_store_idx %arg7[%add3A_365], %gather3A_362 : memref<50176xf32, #tpu.memory_space<vmem>>[vector<16xi32>], vector<16xf32>,
      %add3A_366 = arith.constant 49 : i32
      %add3A_367 = vector.broadcast %add3A_366 : i32 to vector<16xi32>
      %add3A_368 = arith.addi %mul3A_16, %add3A_367 : vector<16xi32>
      %gather3A_369 = tpu.vector_load_idx %arg5[%add3A_368] : memref<65536xf32, #tpu.memory_space<vmem>>[vector<16xi32>], vector<16xf32>,
      %add3A_370 = arith.constant 49 : i32
      %add3A_371 = vector.broadcast %add3A_370 : i32 to vector<16xi32>
      %add3A_372 = arith.addi %mul3A_23, %add3A_371 : vector<16xi32>
      tpu.vector_store_idx %arg7[%add3A_372], %gather3A_369 : memref<50176xf32, #tpu.memory_space<vmem>>[vector<16xi32>], vector<16xf32>,
      %add3A_373 = arith.constant 50 : i32
      %add3A_374 = vector.broadcast %add3A_373 : i32 to vector<16xi32>
      %add3A_375 = arith.addi %mul3A_16, %add3A_374 : vector<16xi32>
      %gather3A_376 = tpu.vector_load_idx %arg5[%add3A_375] : memref<65536xf32, #tpu.memory_space<vmem>>[vector<16xi32>], vector<16xf32>,
      %add3A_377 = arith.constant 50 : i32
      %add3A_378 = vector.broadcast %add3A_377 : i32 to vector<16xi32>
      %add3A_379 = arith.addi %mul3A_23, %add3A_378 : vector<16xi32>
      tpu.vector_store_idx %arg7[%add3A_379], %gather3A_376 : memref<50176xf32, #tpu.memory_space<vmem>>[vector<16xi32>], vector<16xf32>,
      %add3A_380 = arith.constant 51 : i32
      %add3A_381 = vector.broadcast %add3A_380 : i32 to vector<16xi32>
      %add3A_382 = arith.addi %mul3A_16, %add3A_381 : vector<16xi32>
      %gather3A_383 = tpu.vector_load_idx %arg5[%add3A_382] : memref<65536xf32, #tpu.memory_space<vmem>>[vector<16xi32>], vector<16xf32>,
      %add3A_384 = arith.constant 51 : i32
      %add3A_385 = vector.broadcast %add3A_384 : i32 to vector<16xi32>
      %add3A_386 = arith.addi %mul3A_23, %add3A_385 : vector<16xi32>
      tpu.vector_store_idx %arg7[%add3A_386], %gather3A_383 : memref<50176xf32, #tpu.memory_space<vmem>>[vector<16xi32>], vector<16xf32>,
      %add3A_387 = arith.constant 52 : i32
      %add3A_388 = vector.broadcast %add3A_387 : i32 to vector<16xi32>
      %add3A_389 = arith.addi %mul3A_16, %add3A_388 : vector<16xi32>
      %gather3A_390 = tpu.vector_load_idx %arg5[%add3A_389] : memref<65536xf32, #tpu.memory_space<vmem>>[vector<16xi32>], vector<16xf32>,
      %add3A_391 = arith.constant 52 : i32
      %add3A_392 = vector.broadcast %add3A_391 : i32 to vector<16xi32>
      %add3A_393 = arith.addi %mul3A_23, %add3A_392 : vector<16xi32>
      tpu.vector_store_idx %arg7[%add3A_393], %gather3A_390 : memref<50176xf32, #tpu.memory_space<vmem>>[vector<16xi32>], vector<16xf32>,
      %add3A_394 = arith.constant 53 : i32
      %add3A_395 = vector.broadcast %add3A_394 : i32 to vector<16xi32>
      %add3A_396 = arith.addi %mul3A_16, %add3A_395 : vector<16xi32>
      %gather3A_397 = tpu.vector_load_idx %arg5[%add3A_396] : memref<65536xf32, #tpu.memory_space<vmem>>[vector<16xi32>], vector<16xf32>,
      %add3A_398 = arith.constant 53 : i32
      %add3A_399 = vector.broadcast %add3A_398 : i32 to vector<16xi32>
      %add3A_400 = arith.addi %mul3A_23, %add3A_399 : vector<16xi32>
      tpu.vector_store_idx %arg7[%add3A_400], %gather3A_397 : memref<50176xf32, #tpu.memory_space<vmem>>[vector<16xi32>], vector<16xf32>,
      %add3A_401 = arith.constant 54 : i32
      %add3A_402 = vector.broadcast %add3A_401 : i32 to vector<16xi32>
      %add3A_403 = arith.addi %mul3A_16, %add3A_402 : vector<16xi32>
      %gather3A_404 = tpu.vector_load_idx %arg5[%add3A_403] : memref<65536xf32, #tpu.memory_space<vmem>>[vector<16xi32>], vector<16xf32>,
      %add3A_405 = arith.constant 54 : i32
      %add3A_406 = vector.broadcast %add3A_405 : i32 to vector<16xi32>
      %add3A_407 = arith.addi %mul3A_23, %add3A_406 : vector<16xi32>
      tpu.vector_store_idx %arg7[%add3A_407], %gather3A_404 : memref<50176xf32, #tpu.memory_space<vmem>>[vector<16xi32>], vector<16xf32>,
      %add3A_408 = arith.constant 55 : i32
      %add3A_409 = vector.broadcast %add3A_408 : i32 to vector<16xi32>
      %add3A_410 = arith.addi %mul3A_16, %add3A_409 : vector<16xi32>
      %gather3A_411 = tpu.vector_load_idx %arg5[%add3A_410] : memref<65536xf32, #tpu.memory_space<vmem>>[vector<16xi32>], vector<16xf32>,
      %add3A_412 = arith.constant 55 : i32
      %add3A_413 = vector.broadcast %add3A_412 : i32 to vector<16xi32>
      %add3A_414 = arith.addi %mul3A_23, %add3A_413 : vector<16xi32>
      tpu.vector_store_idx %arg7[%add3A_414], %gather3A_411 : memref<50176xf32, #tpu.memory_space<vmem>>[vector<16xi32>], vector<16xf32>,
      %add3A_415 = arith.constant 56 : i32
      %add3A_416 = vector.broadcast %add3A_415 : i32 to vector<16xi32>
      %add3A_417 = arith.addi %mul3A_16, %add3A_416 : vector<16xi32>
      %gather3A_418 = tpu.vector_load_idx %arg5[%add3A_417] : memref<65536xf32, #tpu.memory_space<vmem>>[vector<16xi32>], vector<16xf32>,
      %add3A_419 = arith.constant 56 : i32
      %add3A_420 = vector.broadcast %add3A_419 : i32 to vector<16xi32>
      %add3A_421 = arith.addi %mul3A_23, %add3A_420 : vector<16xi32>
      tpu.vector_store_idx %arg7[%add3A_421], %gather3A_418 : memref<50176xf32, #tpu.memory_space<vmem>>[vector<16xi32>], vector<16xf32>,
      %add3A_422 = arith.constant 57 : i32
      %add3A_423 = vector.broadcast %add3A_422 : i32 to vector<16xi32>
      %add3A_424 = arith.addi %mul3A_16, %add3A_423 : vector<16xi32>
      %gather3A_425 = tpu.vector_load_idx %arg5[%add3A_424] : memref<65536xf32, #tpu.memory_space<vmem>>[vector<16xi32>], vector<16xf32>,
      %add3A_426 = arith.constant 57 : i32
      %add3A_427 = vector.broadcast %add3A_426 : i32 to vector<16xi32>
      %add3A_428 = arith.addi %mul3A_23, %add3A_427 : vector<16xi32>
      tpu.vector_store_idx %arg7[%add3A_428], %gather3A_425 : memref<50176xf32, #tpu.memory_space<vmem>>[vector<16xi32>], vector<16xf32>,
      %add3A_429 = arith.constant 58 : i32
      %add3A_430 = vector.broadcast %add3A_429 : i32 to vector<16xi32>
      %add3A_431 = arith.addi %mul3A_16, %add3A_430 : vector<16xi32>
      %gather3A_432 = tpu.vector_load_idx %arg5[%add3A_431] : memref<65536xf32, #tpu.memory_space<vmem>>[vector<16xi32>], vector<16xf32>,
      %add3A_433 = arith.constant 58 : i32
      %add3A_434 = vector.broadcast %add3A_433 : i32 to vector<16xi32>
      %add3A_435 = arith.addi %mul3A_23, %add3A_434 : vector<16xi32>
      tpu.vector_store_idx %arg7[%add3A_435], %gather3A_432 : memref<50176xf32, #tpu.memory_space<vmem>>[vector<16xi32>], vector<16xf32>,
      %add3A_436 = arith.constant 59 : i32
      %add3A_437 = vector.broadcast %add3A_436 : i32 to vector<16xi32>
      %add3A_438 = arith.addi %mul3A_16, %add3A_437 : vector<16xi32>
      %gather3A_439 = tpu.vector_load_idx %arg5[%add3A_438] : memref<65536xf32, #tpu.memory_space<vmem>>[vector<16xi32>], vector<16xf32>,
      %add3A_440 = arith.constant 59 : i32
      %add3A_441 = vector.broadcast %add3A_440 : i32 to vector<16xi32>
      %add3A_442 = arith.addi %mul3A_23, %add3A_441 : vector<16xi32>
      tpu.vector_store_idx %arg7[%add3A_442], %gather3A_439 : memref<50176xf32, #tpu.memory_space<vmem>>[vector<16xi32>], vector<16xf32>,
      %add3A_443 = arith.constant 60 : i32
      %add3A_444 = vector.broadcast %add3A_443 : i32 to vector<16xi32>
      %add3A_445 = arith.addi %mul3A_16, %add3A_444 : vector<16xi32>
      %gather3A_446 = tpu.vector_load_idx %arg5[%add3A_445] : memref<65536xf32, #tpu.memory_space<vmem>>[vector<16xi32>], vector<16xf32>,
      %add3A_447 = arith.constant 60 : i32
      %add3A_448 = vector.broadcast %add3A_447 : i32 to vector<16xi32>
      %add3A_449 = arith.addi %mul3A_23, %add3A_448 : vector<16xi32>
      tpu.vector_store_idx %arg7[%add3A_449], %gather3A_446 : memref<50176xf32, #tpu.memory_space<vmem>>[vector<16xi32>], vector<16xf32>,
      %add3A_450 = arith.constant 61 : i32
      %add3A_451 = vector.broadcast %add3A_450 : i32 to vector<16xi32>
      %add3A_452 = arith.addi %mul3A_16, %add3A_451 : vector<16xi32>
      %gather3A_453 = tpu.vector_load_idx %arg5[%add3A_452] : memref<65536xf32, #tpu.memory_space<vmem>>[vector<16xi32>], vector<16xf32>,
      %add3A_454 = arith.constant 61 : i32
      %add3A_455 = vector.broadcast %add3A_454 : i32 to vector<16xi32>
      %add3A_456 = arith.addi %mul3A_23, %add3A_455 : vector<16xi32>
      tpu.vector_store_idx %arg7[%add3A_456], %gather3A_453 : memref<50176xf32, #tpu.memory_space<vmem>>[vector<16xi32>], vector<16xf32>,
      %add3A_457 = arith.constant 62 : i32
      %add3A_458 = vector.broadcast %add3A_457 : i32 to vector<16xi32>
      %add3A_459 = arith.addi %mul3A_16, %add3A_458 : vector<16xi32>
      %gather3A_460 = tpu.vector_load_idx %arg5[%add3A_459] : memref<65536xf32, #tpu.memory_space<vmem>>[vector<16xi32>], vector<16xf32>,
      %add3A_461 = arith.constant 62 : i32
      %add3A_462 = vector.broadcast %add3A_461 : i32 to vector<16xi32>
      %add3A_463 = arith.addi %mul3A_23, %add3A_462 : vector<16xi32>
      tpu.vector_store_idx %arg7[%add3A_463], %gather3A_460 : memref<50176xf32, #tpu.memory_space<vmem>>[vector<16xi32>], vector<16xf32>,
      %add3A_464 = arith.constant 63 : i32
      %add3A_465 = vector.broadcast %add3A_464 : i32 to vector<16xi32>
      %add3A_466 = arith.addi %mul3A_16, %add3A_465 : vector<16xi32>
      %gather3A_467 = tpu.vector_load_idx %arg5[%add3A_466] : memref<65536xf32, #tpu.memory_space<vmem>>[vector<16xi32>], vector<16xf32>,
      %add3A_468 = arith.constant 63 : i32
      %add3A_469 = vector.broadcast %add3A_468 : i32 to vector<16xi32>
      %add3A_470 = arith.addi %mul3A_23, %add3A_469 : vector<16xi32>
      tpu.vector_store_idx %arg7[%add3A_470], %gather3A_467 : memref<50176xf32, #tpu.memory_space<vmem>>[vector<16xi32>], vector<16xf32>,
    }
    %scan3A_7 = arith.constant 49 : i32
    %mul3A_8 = arith.constant 64 : i32
    %mul3A_9 = arith.muli %mul3A_2, %mul3A_8 : i32
    "tpu.region"() ({
      %run_scoped3A = tpu.sem_alloc : memref<!tpu.dma_semaphore, #tpu.memory_space<semaphore_mem>>
      %dma_start3A = tpu.memref_slice %arg4[%mul3A_9] : memref<1605632xf32, #tpu.memory_space<hbm>> -> memref<50176xf32, #tpu.memory_space<hbm>>
      %dma_start3A_10 = tpu.memref_slice %arg4[%mul3A_9] : memref<1605632xf32, #tpu.memory_space<hbm>> -> memref<50176xf32, #tpu.memory_space<hbm>>
      tpu.enqueue_dma source(%arg7 : memref<50176xf32, #tpu.memory_space<vmem>>) target(%dma_start3A_10 : memref<50176xf32, #tpu.memory_space<hbm>>) target_semaphore(%run_scoped3A : memref<!tpu.dma_semaphore, #tpu.memory_space<semaphore_mem>>)
      %dma_wait3A = tpu.memref_slice %arg4[%mul3A_9] : memref<1605632xf32, #tpu.memory_space<hbm>> -> memref<50176xf32, #tpu.memory_space<hbm>>
      %dma_wait3A_11 = tpu.memref_slice %arg4[%mul3A_9] : memref<1605632xf32, #tpu.memory_space<hbm>> -> memref<50176xf32, #tpu.memory_space<hbm>>
      tpu.wait_dma2 semaphore(%run_scoped3A : memref<!tpu.dma_semaphore, #tpu.memory_space<semaphore_mem>>) src(%arg7 : memref<50176xf32, #tpu.memory_space<vmem>>) dst(%dma_wait3A_11 : memref<50176xf32, #tpu.memory_space<hbm>>)
      tpu.yield
    }) : () -> ()
    return
  }
}

module attributes {stable_mosaic.version = 14 : i64} {
  func.func @_vq_argmin_body(%arg0: i32, %arg1: memref<1792x64xf32, #tpu.memory_space<vmem>>, %arg2: memref<1024x64xf32, #tpu.memory_space<vmem>>, %arg3: memref<1x1792x1xi32, #tpu.memory_space<vmem>>, %arg4: memref<1x1xf32, #tpu.memory_space<smem>>) attributes {dimension_semantics = [#tpu.dimension_semantics<arbitrary>], iteration_bounds = array<i64: 14>, scalar_prefetch = 0 : i64, scratch_operands = 0 : i64, tpu.core_type = #tpu.core_type<tc>, window_params = [{transform_indices = @transform_0, window_bounds = array<i64: 1792, 64>}, {pipeline_mode = #tpu.pipeline_mode<synchronous>, transform_indices = @transform_1, window_bounds = array<i64: 1024, 64>}, {transform_indices = @transform_2, window_bounds = array<i64: 1, 1792, 1>}, {transform_indices = @transform_3, window_bounds = array<i64: 1, 1>}]} {
    %get3A = arith.constant 0 : index
    %get3A_0 = arith.constant 0 : index
    %get3A_1 = vector.load %arg1[%get3A, %get3A_0] : memref<1792x64xf32, #tpu.memory_space<vmem>>, vector<1792x64xf32>
    %get3A_2 = arith.constant 0 : index
    %get3A_3 = arith.constant 0 : index
    %get3A_4 = vector.load %arg2[%get3A_2, %get3A_3] : memref<1024x64xf32, #tpu.memory_space<vmem>>, vector<1024x64xf32>
    %dot_general3A = arith.constant dense<0.000000e+00> : vector<1792x1024xf32>
    %dot_general3A_5 = tpu.matmul %get3A_1, %get3A_4, %dot_general3A {dimension_numbers = #tpu.dot_dimension_numbers<[1], [1], [0], [0], [0, 0, 1, 0], [], []>, transpose_lhs_hint = false} : vector<1792x64xf32>, vector<1024x64xf32>, vector<1792x1024xf32> -> vector<1792x1024xf32>
    %mul3A = arith.mulf %get3A_4, %get3A_4 : vector<1024x64xf32>
    %broadcast_in_dim3A = arith.constant 1.000000e+00 : f32
    %broadcast_in_dim3A_6 = vector.broadcast %broadcast_in_dim3A : f32 to vector<1x64xf32>
    %dot_general3A_7 = arith.constant dense<0.000000e+00> : vector<1x1024xf32>
    %dot_general3A_8 = tpu.matmul %broadcast_in_dim3A_6, %mul3A, %dot_general3A_7 {dimension_numbers = #tpu.dot_dimension_numbers<[1], [1], [0], [0], [0, 0, 1, 0], [], []>, transpose_lhs_hint = false} : vector<1x64xf32>, vector<1024x64xf32>, vector<1x1024xf32> -> vector<1x1024xf32>
    %mul3A_9 = arith.constant 2.000000e+00 : f32
    %mul3A_10 = vector.broadcast %mul3A_9 : f32 to vector<1792x1024xf32>
    %mul3A_11 = arith.mulf %mul3A_10, %dot_general3A_5 : vector<1792x1024xf32>
    %sub3A = vector.broadcast %dot_general3A_8 : vector<1x1024xf32> to vector<1792x1024xf32>
    %sub3A_12 = arith.subf %sub3A, %mul3A_11 : vector<1792x1024xf32>
    %reduce_min3A = arith.constant dense<0x7F800000> : vector<1792xf32>
    %reduce_min3A_13 = vector.multi_reduction <minimumf>, %sub3A_12, %reduce_min3A [1] : vector<1792x1024xf32> to vector<1792xf32>
    %broadcast_in_dim3A_14 = vector.shape_cast %reduce_min3A_13 : vector<1792xf32> to vector<1792x1xf32>
    %iota3A = tpu.iota {dimensions = array<i32: 1>} : vector<1792x1024xi32>
    %eq3A = vector.broadcast %broadcast_in_dim3A_14 : vector<1792x1xf32> to vector<1792x1024xf32>
    %eq3A_15 = arith.cmpf oeq, %sub3A_12, %eq3A : vector<1792x1024xf32>
    %jit3A = arith.constant 1024 : i32
    %broadcast_in_dim3A_16 = vector.broadcast %jit3A : i32 to vector<1792x1024xi32>
    %select_n3A = arith.select %eq3A_15, %iota3A, %broadcast_in_dim3A_16 : vector<1792x1024xi1>, vector<1792x1024xi32>
    %reduce_min3A_17 = arith.constant dense<2147483647> : vector<1792xi32>
    %reduce_min3A_18 = vector.multi_reduction <minsi>, %select_n3A, %reduce_min3A_17 [1] : vector<1792x1024xi32> to vector<1792xi32>
    %broadcast_in_dim3A_19 = vector.shape_cast %reduce_min3A_18 : vector<1792xi32> to vector<1792x1xi32>
    %swap3A = arith.constant 0 : index
    %swap3A_20 = arith.constant 0 : index
    %swap3A_21 = arith.constant 0 : index
    %swap3A_22 = vector.load %arg3[%swap3A, %swap3A_20, %swap3A_21] : memref<1x1792x1xi32, #tpu.memory_space<vmem>>, vector<1x1792x1xi32>
    %swap3A_23 = vector.shape_cast %swap3A_22 : vector<1x1792x1xi32> to vector<1792x1xi32>
    %swap3A_24 = vector.shape_cast %broadcast_in_dim3A_19 : vector<1792x1xi32> to vector<1x1792x1xi32>
    tpu.vector_store %arg3[%swap3A, %swap3A_20, %swap3A_21], %swap3A_24 {strides = array<i32>} : memref<1x1792x1xi32, #tpu.memory_space<vmem>>, vector<1x1792x1xi32>,
    %mul3A_25 = arith.mulf %get3A_1, %get3A_1 : vector<1792x64xf32>
    %reduce_sum3A = arith.constant dense<0.000000e+00> : vector<1792xf32>
    %reduce_sum3A_26 = vector.multi_reduction <add>, %mul3A_25, %reduce_sum3A [1] : vector<1792x64xf32> to vector<1792xf32>
    %broadcast_in_dim3A_27 = vector.shape_cast %reduce_sum3A_26 : vector<1792xf32> to vector<1792x1xf32>
    %add3A = arith.addf %broadcast_in_dim3A_14, %broadcast_in_dim3A_27 : vector<1792x1xf32>
    %max3A = arith.constant 0.000000e+00 : f32
    %max3A_28 = vector.broadcast %max3A : f32 to vector<1792x1xf32>
    %max3A_29 = arith.maximumf %add3A, %max3A_28 : vector<1792x1xf32>
    %reduce_sum3A_30 = vector.shape_cast %max3A_29 : vector<1792x1xf32> to vector<1x1792x1xf32>
    %reduce_sum3A_31 = arith.constant dense<0.000000e+00> : vector<1xf32>
    %reduce_sum3A_32 = vector.multi_reduction <add>, %reduce_sum3A_30, %reduce_sum3A_31 [1, 2] : vector<1x1792x1xf32> to vector<1xf32>
    %reduce_sum3A_33 = vector.shape_cast %reduce_sum3A_32 : vector<1xf32> to vector<1x1x1xf32>
    %reduce_sum3A_34 = vector.extract %reduce_sum3A_33[0, 0, 0] : f32 from vector<1x1x1xf32>
    %eq3A_35 = arith.constant 0 : i32
    %eq3A_36 = arith.cmpi eq, %arg0, %eq3A_35 : i32
    %convert_element_type3A = arith.extui %eq3A_36 : i1 to i32
    %cond3A = arith.constant 0 : i32
    %cond3A_37 = arith.cmpi ne, %convert_element_type3A, %cond3A : i32
    scf.if %cond3A_37 {
      %swap3A_45 = arith.constant 0.000000e+00 : f32
      %swap3A_46 = arith.constant 0 : index
      %swap3A_47 = arith.constant 0 : index
      %swap3A_48 = memref.load %arg4[%swap3A_46, %swap3A_47] : memref<1x1xf32, #tpu.memory_space<smem>>
      memref.store %swap3A_45, %arg4[%swap3A_46, %swap3A_47] : memref<1x1xf32, #tpu.memory_space<smem>>
    } else {
    }
    %get3A_38 = arith.constant 0 : index
    %get3A_39 = arith.constant 0 : index
    %get3A_40 = memref.load %arg4[%get3A_38, %get3A_39] : memref<1x1xf32, #tpu.memory_space<smem>>
    %add3A_41 = arith.addf %get3A_40, %reduce_sum3A_34 : f32
    %swap3A_42 = arith.constant 0 : index
    %swap3A_43 = arith.constant 0 : index
    %swap3A_44 = memref.load %arg4[%swap3A_42, %swap3A_43] : memref<1x1xf32, #tpu.memory_space<smem>>
    memref.store %add3A_41, %arg4[%swap3A_42, %swap3A_43] : memref<1x1xf32, #tpu.memory_space<smem>>
    return
  }
  func.func @transform_0(%arg0: i32) -> (i32, i32) {
    %c0_i32 = arith.constant 0 : i32
    %c0_i32_0 = arith.constant 0 : i32
    return %arg0, %c0_i32 : i32, i32
  }
  func.func @transform_1(%arg0: i32) -> (i32, i32) {
    %c0_i32 = arith.constant 0 : i32
    %c0_i32_0 = arith.constant 0 : i32
    %c0_i32_1 = arith.constant 0 : i32
    return %c0_i32, %c0_i32_0 : i32, i32
  }
  func.func @transform_2(%arg0: i32) -> (i32, i32, i32) {
    %c0_i32 = arith.constant 0 : i32
    %c0_i32_0 = arith.constant 0 : i32
    %c0_i32_1 = arith.constant 0 : i32
    return %arg0, %c0_i32, %c0_i32_0 : i32, i32, i32
  }
  func.func @transform_3(%arg0: i32) -> (i32, i32) {
    %c0_i32 = arith.constant 0 : i32
    %c0_i32_0 = arith.constant 0 : i32
    %c0_i32_1 = arith.constant 0 : i32
    return %c0_i32, %c0_i32_0 : i32, i32
  }
}

</mosaic_0001>

<sc_bundles>
// kernel: kernel.4.cloned.1.call-start
scs
__scs_entry_jumppad:
0x0: {  	(pc) =	sbr.rel $0x88, $3  }
0x1: {  	(tag) =	ssettag $0x0;
	lr =	simm.s32 $0x1  }
0x2: {  	[smem:$0x3F89] =	sst lr;
	_ =	strace $0xD0000000  }
0x3: {  	_ = 	snop  }
0x4: {  	_ = 	snop  }
0x5: {  	_ = 	snop  }
0x6: {  	_ = 	snop  }
0x7: {  	_ = 	snop  }
__scs_overlays_trampoline_lowered:
0x8: {  	[smem:$0x3F98] =	sst s0  }
0x9: {  	[smem:$0x3F99] =	sst s1  }
0xa: {  	[smem:$0x3F9A] =	sst s2  }
0xb: {  	[smem:$0x3F9B] =	sst s3  }
0xc: {  	[smem:$0x3F9C] =	sst s4  }
0xd: {  	[smem:$0x3F9D] =	sst s5  }
0xe: {  	[smem:$0x3F9E] =	sst s6  }
0xf: {  	[smem:$0x3F9F] =	sst s7  }
0x10: {  	[smem:$0x3FA0] =	sst s8  }
0x11: {  	[smem:$0x3FA1] =	sst s9;
	s0 =	simm.s32 @!p0 $0x0  }
0x12: {  	s1 =	sld [smem:$0x3F87];
	s0 =	simm.s32 @p0 $0x1  }
0x13: {  	[smem:$0x3FA2] =	sst s0;
	s0 =	simm.s32 @!p1 $0x0  }
0x14: {  	s2 =	sld [smem:$0x3F86];
	s0 =	simm.s32 @p1 $0x1  }
0x15: {  	[smem:$0x3FA3] =	sst s0;
	s0 =	simm.s32 @!p2 $0x0  }
0x16: {  	s3 =	sld [smem:$0x3FDB];
	s0 =	simm.s32 @p2 $0x1  }
0x17: {  	s4 =	simm.s32 $0x1BF5;
	[smem:$0x3FA5] =	sst s0  }
0x18: {  	s0 =	sld [smem:$0x3F88];
	_ =	swait.ge [sflag:s4], $0x0  }
0x19: {  	s7 =	sld [smem:$0x3F89]  }
0x1a: {  	s8 =	sadd.s32 $0xFFFFE003, lr  }
0x1b: {  	s9 =	sadd.s32 $0xFFFFFEF7, lr;
	s5 =	simm.s32 $0xFFFFFFFF;
	p2 =	slt.u32 s8, $0xFFFFF086  }
0x1c: {  	p1 =	slt.u32 s9, $0xF7A;
	s5 =	simm.s32 @!p2 $0x0  }
0x1d: {  	s5 =	simm.s32 @p1 $0x1;
	p0 =	seq.s32 s7, s2  }
0x1e: {  	s7 =	smul.u32 @!p0 $0xF7A, s2;
	p2 =	seq.s32 @!p0 s5, $0x0  }
0x1f: {  	s9 =	smul.u32 $0xF7A, s1;
	s8 =	simm.s32 @!p0 $0x1BF5;
	p2 =	por !p2, p0  }
0x20: {  	[sflag:s8] =	ssyncset.s32 @!p0 $0xFFFFF086;
	s6 =	sadd.s32 @!p0 s3, s7;
	s7 =	simm.s32 @!p0 $0x108  }
0x21: {  	s3 =	sadd.s32 s3, s9;
	s6 =	sadd.s32 @!p0 $0x88, s6;
	s7 =	simm.s32 @p2 $0x1082  }
0x22: {  	[simem:s7], [sflag:s8] =	dma.local @!p0 [hbm:s6], $0xF7A  }
0x23: {  	s9 =	sor.u32 $0xD0000000, s2;
	s6 =	simm.s32 $0x108;
	_ =	swait.ge @!p0 [sflag:s8], $0x0  }
0x24: {  	s3 =	sadd.s32 $0x88, s3;
	s6 =	simm.s32 @!p1 $0x1082;
	[sflag:s4] =	ssyncset.s32 $0xFFFFF086  }
0x25: {  	[simem:s6], [sflag:s4] =	dma.local [hbm:s3], $0xF7A  }
0x26: {  	[smem:$0x3F89] =	sst s1;
	(tag) =	ssettag s2;
	_ =	strace s9  }
0x27: {  	s1 =	sld [smem:$0x3F99]  }
0x28: {  	s2 =	sld [smem:$0x3F9A]  }
0x29: {  	s4 =	sld [smem:$0x3F9C]  }
0x2a: {  	p0 =	seq.s32 s5, $0x0;
	s5 =	sld [smem:$0x3F9D]  }
0x2b: {  	s6 =	sld [smem:$0x3F9E]  }
0x2c: {  	s7 =	sld [smem:$0x3F9F]  }
0x2d: {  	s3 =	simm.s32 $0x108;
	s8 =	sld [smem:$0x3FA0]  }
0x2e: {  	s3 =	simm.s32 @!p0 $0x1082;
	s9 =	sld [smem:$0x3FA1]  }
0x2f: {  	lr =	sadd.s32 s0, s3;
	s0 =	sld [smem:$0x3F98]  }
0x30: {  	s3 =	sld [smem:$0x3F9B]  }
0x31: {  	[smem:$0x3FA4] =	sst s10  }
0x32: {  	s10 =	sld [smem:$0x3FA2];
	_ =	sdelay $0x3  }
0x33: {  	p0 =	seq.s32 s10, $0x1;
	s10 =	sld [smem:$0x3FA4];
	_ =	sdelay $0x3  }
0x34: {  	[smem:$0x3FA4] =	sst s10  }
0x35: {  	s10 =	sld [smem:$0x3FA3];
	_ =	sdelay $0x3  }
0x36: {  	p1 =	seq.s32 s10, $0x1;
	s10 =	sld [smem:$0x3FA4];
	_ =	sdelay $0x3  }
0x37: {  	[smem:$0x3FA4] =	sst s10  }
0x38: {  	s10 =	sld [smem:$0x3FA5]  }
0x39: {  	_ = 	snop;
	(pc) =	sbr.ind lr, $3  }
0x3a: {  	_ = 	snop  }
0x3b: {  	_ = 	snop  }
0x3c: {  	p2 =	seq.s32 s10, $0x1;
	s10 =	sld [smem:$0x3FA4]  }
0x3d: {  	_ =	shalt  }
0x3e: {  	_ =	shalt  }
0x3f: {  	_ =	shalt  }
0x40: {  	_ =	shalt  }
0x41: {  	_ =	shalt  }
0x42: {  	_ =	shalt  }
0x43: {  	_ =	shalt  }
0x44: {  	_ =	shalt  }
0x45: {  	_ =	shalt  }
0x46: {  	_ =	shalt  }
0x47: {  	_ =	shalt  }
0x48: {  	_ =	shalt  }
0x49: {  	_ =	shalt  }
0x4a: {  	_ =	shalt  }
0x4b: {  	_ =	shalt  }
0x4c: {  	_ =	shalt  }
0x4d: {  	_ =	shalt  }
0x4e: {  	_ =	shalt  }
0x4f: {  	_ =	shalt  }
0x50: {  	_ =	shalt  }
0x51: {  	_ =	shalt  }
0x52: {  	_ =	shalt  }
0x53: {  	_ =	shalt  }
0x54: {  	_ =	shalt  }
0x55: {  	_ =	shalt  }
0x56: {  	_ =	shalt  }
0x57: {  	_ =	shalt  }
0x58: {  	_ =	shalt  }
0x59: {  	_ =	shalt  }
0x5a: {  	_ =	shalt  }
0x5b: {  	_ =	shalt  }
0x5c: {  	_ =	shalt  }
0x5d: {  	_ =	shalt  }
0x5e: {  	_ =	shalt  }
0x5f: {  	_ =	shalt  }
0x60: {  	_ =	shalt  }
0x61: {  	_ =	shalt  }
0x62: {  	_ =	shalt  }
0x63: {  	_ =	shalt  }
0x64: {  	_ =	shalt  }
0x65: {  	_ =	shalt  }
0x66: {  	_ =	shalt  }
0x67: {  	_ =	shalt  }
0x68: {  	_ =	shalt  }
0x69: {  	_ =	shalt  }
0x6a: {  	_ =	shalt  }
0x6b: {  	_ =	shalt  }
0x6c: {  	_ =	shalt  }
0x6d: {  	_ =	shalt  }
0x6e: {  	_ =	shalt  }
0x6f: {  	_ =	shalt  }
0x70: {  	_ =	shalt  }
0x71: {  	_ =	shalt  }
0x72: {  	_ =	shalt  }
0x73: {  	_ =	shalt  }
0x74: {  	_ =	shalt  }
0x75: {  	_ =	shalt  }
0x76: {  	_ =	shalt  }
0x77: {  	_ =	shalt  }
0x78: {  	_ =	shalt  }
0x79: {  	_ =	shalt  }
0x7a: {  	_ =	shalt  }
0x7b: {  	_ =	shalt  }
0x7c: {  	_ =	shalt  }
0x7d: {  	_ =	shalt  }
0x7e: {  	_ =	shalt  }
0x7f: {  	_ =	shalt  }
0x80: {  	_ =	shalt  }
0x81: {  	_ =	shalt  }
0x82: {  	_ =	shalt  }
0x83: {  	_ =	shalt  }
0x84: {  	_ =	shalt  }
0x85: {  	_ =	shalt  }
0x86: {  	_ =	shalt  }
0x87: {  	_ =	shalt  }
.Lfunc_end0:
.L_simem_size_0:
called_computation_lowered:
.L_overlay_start_0:
0x88: {  	s2 =	sld [smem:$0x3FD9]  }
0x89: {  	s3 =	sld [smem:$0x3FFE];
	_ =	sdelay $0x1  }
0x8a: {  	s1 =	srdreg.scid  }
0x8b: {  	s0 =	sand.u32 $0x1, s1  }
0x8c: {  	s14 =	sshll.u32 s0, $0xA;
	s2 =	sadd.s32 s3, s2  }
0x8d: {  	s2 =	sadd.s32 s2, s14  }
0x8e: {  	[smem:$0x3FB0] =	sst s2  }
0x8f: {  	_ = 	snop  }
0x90: {  	s2 =	sld [smem:$0x3FD0];
	_ =	sdelay $0x2  }
0x91: {  	s15 =	simm.s32 $0xA;
	s4 =	simm.s32 $0x10  }
0x92: {  	[smem:s4], [sflag:s15] =	dma.local [hbm:s2], $0x1  }
0x93: {  	_ =	swait.eq [sflag:s15], $0x1  }
0x94: {  	[sflag:s15] =	ssyncset.done $0x0  }
0x95: {  	[sflag:s15] =	ssyncadd.s32 $0xFFFFFFFF  }
0x96: {  	s16 =	sld [smem:$0x10];
	(tm) =	ssettm $0x1  }
0x97: {  	s17 =	sld [smem:$0x3FFB];
	_ =	sdelay $0x3  }
0x98: {  	_ =	strace s17  }
0x99: {  	s3 =	sld [smem:$0x3FFC];
	_ =	sdelay $0x3  }
0x9a: {  	_ =	strace s3  }
0x9b: {  	s3 =	sld [smem:$0x3FFD];
	_ =	sdelay $0x3  }
0x9c: {  	_ =	strace s3  }
0x9d: {  	_ =	strace $0x8FFFFFFF  }
0x9e: {  	s18 =	sld [smem:$0x3FDB];
	_ =	sdelay $0x1  }
0x9f: {  	s19 =	simm.s32 $_scs_section_size  }
0xa0: {  	s5 =	simm.s32 $_size__tile_overlayer_lowered;
	s6 =	simm.s32 $_tile_overlayer_lowered  }
0xa1: {  	s22 =	simm.s32 $0x1BFF;
	s21 =	sshll.u32 s6, $0x1;
	s3 =	sadd.s32 s19, s18  }
0xa2: {  	s7 =	simm.s32 $0x0;
	s20 =	sshll.u32 s5, $0x1;
	s5 =	sadd.s32 s21, s3  }
0xa3: {  	[timem:s7], [sflag:s22] =	dma.local [hbm:s5], s20  }
0xa4: {  	_ =	swait.ge [sflag:s22], s20  }
0xa5: {  	s4 =	ssub.s32 $0x0, s20;
	[sflag:s22] =	ssyncset.done $0x0  }
0xa6: {  	[sflag:s22] =	ssyncadd.s32 s4;
	_ =	sdelay $0x1  }
0xa7: {  	s23 =	simm.s32 $0x1B8B  }
0xa8: {  	_ =	swait.ge [sflag:s23], $0x1  }
0xa9: {  	[sflag:s23] =	ssyncset.done $0x0  }
0xaa: {  	s25 =	simm.s32 $0x1B8E;
	s24 =	sld [smem:$0x3FFE];
	[sflag:s23] =	ssyncadd.s32 $0xFFFFFFFF  }
0xab: {  	s26 =	simm.s32 $execute0_lowered;
	[smem:$0x3FD2] =	sst s25  }
0xac: {  	s5 =	sshll.u32 s26, $0x1;
	_ =	strace $0x80000046;
	[dreg:$0x1] =	wrdreg $0xFFFFFFFF  }
0xad: {  	s28 =	simm.s32 $_size_execute0_lowered;
	s3 =	sadd.s32 s3, s5;
	[dreg:$0x0] =	wrdreg $0x0  }
0xae: {  	s5 =	sshll.u32 s28, $0x1;
	[dreg:$0x2] =	wrdreg s3  }
0xaf: {  	[dreg:$0x3] =	wrdreg s5  }
0xb0: {  	[dreg:$0x4] =	wrdreg $0xC0  }
0xb1: {  	_ =	task [dreg:s7], $0x5FFFF  }
0xb2: {  	[dreg:$0x1] =	wrdreg $0xFFFFFFFF  }
0xb3: {  	[dreg:$0x0] =	wrdreg $0x60  }
0xb4: {  	[dreg:$0x2] =	wrdreg s24  }
0xb5: {  	[dreg:$0x3] =	wrdreg s16  }
0xb6: {  	[dreg:$0x4] =	wrdreg $0x9  }
0xb7: {  	_ =	task.clear_ibuf [dreg:s7], $0x5FFFF;
	_ =	strace $0x90000046  }
0xb8: {  	s29 =	simm.s32 $0x9;
	_ =	strace $0x80000048  }
0xb9: {  	_ =	swait.ge [sflag:s29], $0x1  }
0xba: {  	[sflag:s29] =	ssyncadd.s32 $0xFFFFFFFF  }
0xbb: {  	_ =	strace $0x90000048  }
0xbc: {  	_ =	sfence  }
0xbd: {  	s30 =	sld [smem:$0x0];
	_ =	sdelay $0x2  }
0xbe: {  	s31 =	sshll.u32 s1, $0xD;
	s1 =	sshrl.u32 s1, $0x2  }
0xbf: {  	s3 =	sand.u32 $0x4000, s31;
	s1 =	sadd.s32 s1, s30  }
0xc0: {  	s0 =	sor.u32 s3, s0;
	s1 =	sshll.u32 s1, $0x11  }
0xc1: {  	s0 =	sor.u32 s1, s0  }
0xc2: {  	s0 =	sadd.s32 $0x8F2B, s0  }
0xc3: {  	[sflag:s0] =	ssyncadd.remote.s32 $0x1  }
0xc4: {  	_ =	sfence.sel $0xFFFF  }
0xc5: {  	[dreg:$0x0] =	wrdreg $0xFFFFFFFF;
	(pc) =	sbr.abs _section_cstart, $3  }
0xc6: {  	[dreg:$0x1] =	wrdreg $0xFFFFFFFF  }
0xc7: {  	_ =	task.clear_ibuf [dreg:s7], $0x2FFFF;
	_ =	strace $0x9FFFFFFF  }
0xc8: {  	(tm) =	ssettm $0x7FFFFFFF  }
0xc9: {  	_ =	shalt  }
tec
execute0_lowered:
.L_overlay_start_1:
0x0: {  	(tag) =	ssettag $0x1  }
0x1: {  	s4 =	rddreg [dreg:$0x0]  }
0x2: {  	s1 =	srdreg.scid;
	s0 =	stileid.u32  }
0x3: {  	s5 =	rddreg [dreg:$0x1];
	s3 =	sand.u32 $0x1, s1;
	s6 =	sshll.u32 s0, $0x1  }
0x4: {  	s2 =	simm.s32 $0x0;
	s1 =	rddreg [dreg:$0x2];
	s6 =	sor.u32 s3, s6  }
0x5: {  	[smem:$0x7FF] =	sst s2;
	s8 =	ssub.s32 $0x2, s3;
	s7 =	smul.u32 $0x1880, s6  }
0x6: {  	_ =	strace $0x80000047;
	s9 =	sshrl.u32 s8, $0x1;
	s6 =	smul.u32 $0x62, s6  }
0x7: {  	s3 =	sadd.s32 $0x800, s4;
	s8 =	ssub.s32 s8, s9;
	s9 =	simm.s32 $0x0  }
0x8: {  	v0 =	vlaneseq.u32;
	s7 =	sadd.s32 s7, s4;
	s4 =	sadd.s32 s5, s6;
	s6 =	smax.u32 s8, $0x1  }
0x9: {  	v0 =	vmul.u32 $0x40, v0;
	s8 =	simm.s32 $0x10310;
	s5 =	sadd.s32 $0x2800, s7;
	s7 =	simm.s32 $0x1  }
.LBB2_1:
0xa: {  	[tilespmem:s2], [sflag:$0x1] =	stream.linear.gather [hbm4b:s3+s2], $0x10000, $0x38;
	[tilespmem:$0x1C710] =	vst v63  }
0xb: {  	_ =	swait.ge [sflag:s7], $0x10000  }
0xc: {  	[sflag:s7] =	ssyncset.done $0x0  }
0xd: {  	s10 =	simm.s32 $0x10000;
	[sflag:s7] =	ssyncadd.s32 $0xFFFF0000  }
0xe: {  	[tilespmem:s10], [sflag:$0x1] =	stream.linear.gather [hbm4b:s4+s2], $0x310, $0x38;
	[tilespmem:$0x1C710] =	vst v63  }
0xf: {  	_ =	swait.ge [sflag:s7], $0x310  }
0x10: {  	[sflag:s7] =	ssyncset.done $0x0  }
0x11: {  	s11 =	simm.s32 $0x0;
	[sflag:s7] =	ssyncadd.s32 $0xFFFFFCF0  }
.LBB2_2:
0x12: {  	v1 =	vld [tilespmem:s10+$0x0];
	_ =	sdelay $0x4  }
0x13: {  	v1 =	vshll.u32 v1, $0x6;
	_ =	sdelay $0x2  }
0x14: {  	v2 =	vmov s11  }
0x15: {  	v2 =	vshll.u32 v2, $0x6  }
0x16: {  	v2 =	vor.u32 v0, v2;
	v3 =	vld.idx.msk [tilespmem:v1+s2+$0x0], $0xffff  }
0x17: {  	v4 =	vor.u32 $0x1, v1;
	_ =	sdelay $0x3  }
0x18: {  	[tilespmem:v2+s8+$0x0] =	vst.idx.msk $0xffff, v3  }
0x19: {  	v54 =	vor.u32 $0x1, v2;
	v3 =	vld.idx.msk [tilespmem:v4+s2+$0x0], $0xffff  }
0x1a: {  	v5 =	vor.u32 $0x2, v1;
	_ =	sdelay $0x3  }
0x1b: {  	[tilespmem:v54+s8+$0x0] =	vst.idx.msk $0xffff, v3  }
0x1c: {  	v55 =	vor.u32 $0x2, v2;
	v3 =	vld.idx.msk [tilespmem:v5+s2+$0x0], $0xffff  }
0x1d: {  	v56 =	vor.u32 $0x3, v1;
	_ =	sdelay $0x3  }
0x1e: {  	[tilespmem:v55+s8+$0x0] =	vst.idx.msk $0xffff, v3  }
0x1f: {  	v57 =	vor.u32 $0x3, v2;
	v3 =	vld.idx.msk [tilespmem:v56+s2+$0x0], $0xffff  }
0x20: {  	v58 =	vor.u32 $0x4, v1;
	_ =	sdelay $0x3  }
0x21: {  	[tilespmem:v57+s8+$0x0] =	vst.idx.msk $0xffff, v3  }
0x22: {  	v59 =	vor.u32 $0x4, v2;
	v3 =	vld.idx.msk [tilespmem:v58+s2+$0x0], $0xffff  }
0x23: {  	v60 =	vor.u32 $0x5, v1;
	_ =	sdelay $0x3  }
0x24: {  	[tilespmem:v59+s8+$0x0] =	vst.idx.msk $0xffff, v3  }
0x25: {  	v61 =	vor.u32 $0x5, v2;
	v3 =	vld.idx.msk [tilespmem:v60+s2+$0x0], $0xffff  }
0x26: {  	v62 =	vor.u32 $0x6, v1;
	_ =	sdelay $0x3  }
0x27: {  	[tilespmem:v61+s8+$0x0] =	vst.idx.msk $0xffff, v3  }
0x28: {  	v63 =	vor.u32 $0x6, v2;
	v3 =	vld.idx.msk [tilespmem:v62+s2+$0x0], $0xffff  }
0x29: {  	v8 =	vor.u32 $0x7, v1;
	_ =	sdelay $0x3  }
0x2a: {  	[tilespmem:v63+s8+$0x0] =	vst.idx.msk $0xffff, v3  }
0x2b: {  	v9 =	vor.u32 $0x7, v2;
	v3 =	vld.idx.msk [tilespmem:v8+s2+$0x0], $0xffff  }
0x2c: {  	v10 =	vor.u32 $0x8, v1;
	_ =	sdelay $0x3  }
0x2d: {  	[tilespmem:v9+s8+$0x0] =	vst.idx.msk $0xffff, v3  }
0x2e: {  	v11 =	vor.u32 $0x8, v2;
	v3 =	vld.idx.msk [tilespmem:v10+s2+$0x0], $0xffff  }
0x2f: {  	v12 =	vor.u32 $0x9, v1;
	_ =	sdelay $0x3  }
0x30: {  	[tilespmem:v11+s8+$0x0] =	vst.idx.msk $0xffff, v3  }
0x31: {  	v13 =	vor.u32 $0x9, v2;
	v3 =	vld.idx.msk [tilespmem:v12+s2+$0x0], $0xffff  }
0x32: {  	v14 =	vor.u32 $0xA, v1;
	_ =	sdelay $0x3  }
0x33: {  	[tilespmem:v13+s8+$0x0] =	vst.idx.msk $0xffff, v3  }
0x34: {  	v15 =	vor.u32 $0xA, v2;
	v3 =	vld.idx.msk [tilespmem:v14+s2+$0x0], $0xffff  }
0x35: {  	v16 =	vor.u32 $0xB, v1;
	_ =	sdelay $0x3  }
0x36: {  	[tilespmem:v15+s8+$0x0] =	vst.idx.msk $0xffff, v3  }
0x37: {  	v17 =	vor.u32 $0xB, v2;
	v3 =	vld.idx.msk [tilespmem:v16+s2+$0x0], $0xffff  }
0x38: {  	v18 =	vor.u32 $0xC, v1;
	_ =	sdelay $0x3  }
0x39: {  	[tilespmem:v17+s8+$0x0] =	vst.idx.msk $0xffff, v3  }
0x3a: {  	v19 =	vor.u32 $0xC, v2;
	v3 =	vld.idx.msk [tilespmem:v18+s2+$0x0], $0xffff  }
0x3b: {  	v20 =	vor.u32 $0xD, v1;
	_ =	sdelay $0x3  }
0x3c: {  	[tilespmem:v19+s8+$0x0] =	vst.idx.msk $0xffff, v3  }
0x3d: {  	v21 =	vor.u32 $0xD, v2;
	v3 =	vld.idx.msk [tilespmem:v20+s2+$0x0], $0xffff  }
0x3e: {  	v22 =	vor.u32 $0xE, v1;
	_ =	sdelay $0x3  }
0x3f: {  	[tilespmem:v21+s8+$0x0] =	vst.idx.msk $0xffff, v3  }
0x40: {  	v23 =	vor.u32 $0xE, v2;
	v3 =	vld.idx.msk [tilespmem:v22+s2+$0x0], $0xffff  }
0x41: {  	v24 =	vor.u32 $0xF, v1;
	_ =	sdelay $0x3  }
0x42: {  	[tilespmem:v23+s8+$0x0] =	vst.idx.msk $0xffff, v3  }
0x43: {  	v25 =	vor.u32 $0xF, v2;
	v3 =	vld.idx.msk [tilespmem:v24+s2+$0x0], $0xffff  }
0x44: {  	v26 =	vor.u32 $0x10, v1;
	_ =	sdelay $0x3  }
0x45: {  	[tilespmem:v25+s8+$0x0] =	vst.idx.msk $0xffff, v3  }
0x46: {  	v27 =	vor.u32 $0x10, v2;
	v3 =	vld.idx.msk [tilespmem:v26+s2+$0x0], $0xffff  }
0x47: {  	v28 =	vor.u32 $0x11, v1;
	_ =	sdelay $0x3  }
0x48: {  	[tilespmem:v27+s8+$0x0] =	vst.idx.msk $0xffff, v3  }
0x49: {  	v29 =	vor.u32 $0x11, v2;
	v3 =	vld.idx.msk [tilespmem:v28+s2+$0x0], $0xffff  }
0x4a: {  	v30 =	vor.u32 $0x12, v1;
	_ =	sdelay $0x3  }
0x4b: {  	[tilespmem:v29+s8+$0x0] =	vst.idx.msk $0xffff, v3  }
0x4c: {  	v31 =	vor.u32 $0x12, v2;
	v3 =	vld.idx.msk [tilespmem:v30+s2+$0x0], $0xffff  }
0x4d: {  	v32 =	vor.u32 $0x13, v1;
	_ =	sdelay $0x3  }
0x4e: {  	[tilespmem:v31+s8+$0x0] =	vst.idx.msk $0xffff, v3  }
0x4f: {  	v33 =	vor.u32 $0x13, v2;
	v3 =	vld.idx.msk [tilespmem:v32+s2+$0x0], $0xffff  }
0x50: {  	v34 =	vor.u32 $0x14, v1;
	_ =	sdelay $0x3  }
0x51: {  	[tilespmem:v33+s8+$0x0] =	vst.idx.msk $0xffff, v3  }
0x52: {  	v35 =	vor.u32 $0x14, v2;
	v3 =	vld.idx.msk [tilespmem:v34+s2+$0x0], $0xffff  }
0x53: {  	v36 =	vor.u32 $0x15, v1;
	_ =	sdelay $0x3  }
0x54: {  	[tilespmem:v35+s8+$0x0] =	vst.idx.msk $0xffff, v3  }
0x55: {  	v37 =	vor.u32 $0x15, v2;
	v3 =	vld.idx.msk [tilespmem:v36+s2+$0x0], $0xffff  }
0x56: {  	v38 =	vor.u32 $0x16, v1;
	_ =	sdelay $0x3  }
0x57: {  	[tilespmem:v37+s8+$0x0] =	vst.idx.msk $0xffff, v3  }
0x58: {  	v39 =	vor.u32 $0x16, v2;
	v3 =	vld.idx.msk [tilespmem:v38+s2+$0x0], $0xffff  }
0x59: {  	v40 =	vor.u32 $0x17, v1;
	_ =	sdelay $0x3  }
0x5a: {  	[tilespmem:v39+s8+$0x0] =	vst.idx.msk $0xffff, v3  }
0x5b: {  	v41 =	vor.u32 $0x17, v2;
	v3 =	vld.idx.msk [tilespmem:v40+s2+$0x0], $0xffff  }
0x5c: {  	v42 =	vor.u32 $0x18, v1;
	_ =	sdelay $0x3  }
0x5d: {  	[tilespmem:v41+s8+$0x0] =	vst.idx.msk $0xffff, v3  }
0x5e: {  	v43 =	vor.u32 $0x18, v2;
	v3 =	vld.idx.msk [tilespmem:v42+s2+$0x0], $0xffff  }
0x5f: {  	v44 =	vor.u32 $0x19, v1;
	_ =	sdelay $0x3  }
0x60: {  	[tilespmem:v43+s8+$0x0] =	vst.idx.msk $0xffff, v3  }
0x61: {  	v45 =	vor.u32 $0x19, v2;
	v3 =	vld.idx.msk [tilespmem:v44+s2+$0x0], $0xffff  }
0x62: {  	v46 =	vor.u32 $0x1A, v1;
	_ =	sdelay $0x3  }
0x63: {  	[tilespmem:v45+s8+$0x0] =	vst.idx.msk $0xffff, v3  }
0x64: {  	v47 =	vor.u32 $0x1A, v2;
	v3 =	vld.idx.msk [tilespmem:v46+s2+$0x0], $0xffff  }
0x65: {  	v48 =	vor.u32 $0x1B, v1;
	_ =	sdelay $0x3  }
0x66: {  	[tilespmem:v47+s8+$0x0] =	vst.idx.msk $0xffff, v3  }
0x67: {  	v49 =	vor.u32 $0x1B, v2;
	v3 =	vld.idx.msk [tilespmem:v48+s2+$0x0], $0xffff  }
0x68: {  	v50 =	vor.u32 $0x1C, v1;
	_ =	sdelay $0x3  }
0x69: {  	[tilespmem:v49+s8+$0x0] =	vst.idx.msk $0xffff, v3  }
0x6a: {  	v51 =	vor.u32 $0x1C, v2;
	v3 =	vld.idx.msk [tilespmem:v50+s2+$0x0], $0xffff  }
0x6b: {  	v52 =	vor.u32 $0x1D, v1;
	_ =	sdelay $0x3  }
0x6c: {  	[tilespmem:v51+s8+$0x0] =	vst.idx.msk $0xffff, v3  }
0x6d: {  	v53 =	vor.u32 $0x1D, v2;
	v3 =	vld.idx.msk [tilespmem:v52+s2+$0x0], $0xffff  }
0x6e: {  	v54 =	vor.u32 $0x1E, v1;
	_ =	sdelay $0x3  }
0x6f: {  	[tilespmem:v53+s8+$0x0] =	vst.idx.msk $0xffff, v3  }
0x70: {  	v55 =	vor.u32 $0x1E, v2;
	v3 =	vld.idx.msk [tilespmem:v54+s2+$0x0], $0xffff  }
0x71: {  	v56 =	vor.u32 $0x1F, v1;
	_ =	sdelay $0x3  }
0x72: {  	[tilespmem:v55+s8+$0x0] =	vst.idx.msk $0xffff, v3  }
0x73: {  	v57 =	vor.u32 $0x1F, v2;
	v3 =	vld.idx.msk [tilespmem:v56+s2+$0x0], $0xffff  }
0x74: {  	v58 =	vor.u32 $0x20, v1;
	_ =	sdelay $0x3  }
0x75: {  	[tilespmem:v57+s8+$0x0] =	vst.idx.msk $0xffff, v3  }
0x76: {  	v59 =	vor.u32 $0x20, v2;
	v3 =	vld.idx.msk [tilespmem:v58+s2+$0x0], $0xffff  }
0x77: {  	v60 =	vor.u32 $0x21, v1;
	_ =	sdelay $0x3  }
0x78: {  	[tilespmem:v59+s8+$0x0] =	vst.idx.msk $0xffff, v3  }
0x79: {  	v61 =	vor.u32 $0x21, v2;
	v3 =	vld.idx.msk [tilespmem:v60+s2+$0x0], $0xffff  }
0x7a: {  	v62 =	vor.u32 $0x22, v1;
	_ =	sdelay $0x3  }
0x7b: {  	[tilespmem:v61+s8+$0x0] =	vst.idx.msk $0xffff, v3  }
0x7c: {  	v63 =	vor.u32 $0x22, v2;
	v3 =	vld.idx.msk [tilespmem:v62+s2+$0x0], $0xffff  }
0x7d: {  	v8 =	vor.u32 $0x23, v1;
	_ =	sdelay $0x3  }
0x7e: {  	[tilespmem:v63+s8+$0x0] =	vst.idx.msk $0xffff, v3  }
0x7f: {  	v9 =	vor.u32 $0x23, v2;
	v3 =	vld.idx.msk [tilespmem:v8+s2+$0x0], $0xffff  }
0x80: {  	v10 =	vor.u32 $0x24, v1;
	_ =	sdelay $0x3  }
0x81: {  	[tilespmem:v9+s8+$0x0] =	vst.idx.msk $0xffff, v3  }
0x82: {  	v11 =	vor.u32 $0x24, v2;
	v3 =	vld.idx.msk [tilespmem:v10+s2+$0x0], $0xffff  }
0x83: {  	v12 =	vor.u32 $0x25, v1;
	_ =	sdelay $0x3  }
0x84: {  	[tilespmem:v11+s8+$0x0] =	vst.idx.msk $0xffff, v3  }
0x85: {  	v13 =	vor.u32 $0x25, v2;
	v3 =	vld.idx.msk [tilespmem:v12+s2+$0x0], $0xffff  }
0x86: {  	v14 =	vor.u32 $0x26, v1;
	_ =	sdelay $0x3  }
0x87: {  	[tilespmem:v13+s8+$0x0] =	vst.idx.msk $0xffff, v3  }
0x88: {  	v15 =	vor.u32 $0x26, v2;
	v3 =	vld.idx.msk [tilespmem:v14+s2+$0x0], $0xffff  }
0x89: {  	v16 =	vor.u32 $0x27, v1;
	_ =	sdelay $0x3  }
0x8a: {  	[tilespmem:v15+s8+$0x0] =	vst.idx.msk $0xffff, v3  }
0x8b: {  	v17 =	vor.u32 $0x27, v2;
	v3 =	vld.idx.msk [tilespmem:v16+s2+$0x0], $0xffff  }
0x8c: {  	v18 =	vor.u32 $0x28, v1;
	_ =	sdelay $0x3  }
0x8d: {  	[tilespmem:v17+s8+$0x0] =	vst.idx.msk $0xffff, v3  }
0x8e: {  	v19 =	vor.u32 $0x28, v2;
	v3 =	vld.idx.msk [tilespmem:v18+s2+$0x0], $0xffff  }
0x8f: {  	v20 =	vor.u32 $0x29, v1;
	_ =	sdelay $0x3  }
0x90: {  	[tilespmem:v19+s8+$0x0] =	vst.idx.msk $0xffff, v3  }
0x91: {  	v21 =	vor.u32 $0x29, v2;
	v3 =	vld.idx.msk [tilespmem:v20+s2+$0x0], $0xffff  }
0x92: {  	v22 =	vor.u32 $0x2A, v1;
	_ =	sdelay $0x3  }
0x93: {  	[tilespmem:v21+s8+$0x0] =	vst.idx.msk $0xffff, v3  }
0x94: {  	v23 =	vor.u32 $0x2A, v2;
	v3 =	vld.idx.msk [tilespmem:v22+s2+$0x0], $0xffff  }
0x95: {  	v24 =	vor.u32 $0x2B, v1;
	_ =	sdelay $0x3  }
0x96: {  	[tilespmem:v23+s8+$0x0] =	vst.idx.msk $0xffff, v3  }
0x97: {  	v25 =	vor.u32 $0x2B, v2;
	v3 =	vld.idx.msk [tilespmem:v24+s2+$0x0], $0xffff  }
0x98: {  	v26 =	vor.u32 $0x2C, v1;
	_ =	sdelay $0x3  }
0x99: {  	[tilespmem:v25+s8+$0x0] =	vst.idx.msk $0xffff, v3  }
0x9a: {  	v27 =	vor.u32 $0x2C, v2;
	v3 =	vld.idx.msk [tilespmem:v26+s2+$0x0], $0xffff  }
0x9b: {  	v28 =	vor.u32 $0x2D, v1;
	_ =	sdelay $0x3  }
0x9c: {  	[tilespmem:v27+s8+$0x0] =	vst.idx.msk $0xffff, v3  }
0x9d: {  	v29 =	vor.u32 $0x2D, v2;
	v3 =	vld.idx.msk [tilespmem:v28+s2+$0x0], $0xffff  }
0x9e: {  	v30 =	vor.u32 $0x2E, v1;
	_ =	sdelay $0x3  }
0x9f: {  	[tilespmem:v29+s8+$0x0] =	vst.idx.msk $0xffff, v3  }
0xa0: {  	v31 =	vor.u32 $0x2E, v2;
	v3 =	vld.idx.msk [tilespmem:v30+s2+$0x0], $0xffff  }
0xa1: {  	v32 =	vor.u32 $0x2F, v1;
	_ =	sdelay $0x3  }
0xa2: {  	[tilespmem:v31+s8+$0x0] =	vst.idx.msk $0xffff, v3  }
0xa3: {  	v33 =	vor.u32 $0x2F, v2;
	v3 =	vld.idx.msk [tilespmem:v32+s2+$0x0], $0xffff  }
0xa4: {  	v34 =	vor.u32 $0x30, v1;
	_ =	sdelay $0x3  }
0xa5: {  	[tilespmem:v33+s8+$0x0] =	vst.idx.msk $0xffff, v3  }
0xa6: {  	v35 =	vor.u32 $0x30, v2;
	v3 =	vld.idx.msk [tilespmem:v34+s2+$0x0], $0xffff  }
0xa7: {  	v36 =	vor.u32 $0x31, v1;
	_ =	sdelay $0x3  }
0xa8: {  	[tilespmem:v35+s8+$0x0] =	vst.idx.msk $0xffff, v3  }
0xa9: {  	v37 =	vor.u32 $0x31, v2;
	v3 =	vld.idx.msk [tilespmem:v36+s2+$0x0], $0xffff  }
0xaa: {  	v38 =	vor.u32 $0x32, v1;
	_ =	sdelay $0x3  }
0xab: {  	[tilespmem:v37+s8+$0x0] =	vst.idx.msk $0xffff, v3  }
0xac: {  	v39 =	vor.u32 $0x32, v2;
	v3 =	vld.idx.msk [tilespmem:v38+s2+$0x0], $0xffff  }
0xad: {  	v40 =	vor.u32 $0x33, v1;
	_ =	sdelay $0x3  }
0xae: {  	[tilespmem:v39+s8+$0x0] =	vst.idx.msk $0xffff, v3  }
0xaf: {  	v41 =	vor.u32 $0x33, v2;
	v3 =	vld.idx.msk [tilespmem:v40+s2+$0x0], $0xffff  }
0xb0: {  	v42 =	vor.u32 $0x34, v1;
	_ =	sdelay $0x3  }
0xb1: {  	[tilespmem:v41+s8+$0x0] =	vst.idx.msk $0xffff, v3  }
0xb2: {  	v43 =	vor.u32 $0x34, v2;
	v3 =	vld.idx.msk [tilespmem:v42+s2+$0x0], $0xffff  }
0xb3: {  	v44 =	vor.u32 $0x35, v1;
	_ =	sdelay $0x3  }
0xb4: {  	[tilespmem:v43+s8+$0x0] =	vst.idx.msk $0xffff, v3  }
0xb5: {  	v45 =	vor.u32 $0x35, v2;
	v3 =	vld.idx.msk [tilespmem:v44+s2+$0x0], $0xffff  }
0xb6: {  	v46 =	vor.u32 $0x36, v1;
	_ =	sdelay $0x3  }
0xb7: {  	[tilespmem:v45+s8+$0x0] =	vst.idx.msk $0xffff, v3  }
0xb8: {  	v47 =	vor.u32 $0x36, v2;
	v3 =	vld.idx.msk [tilespmem:v46+s2+$0x0], $0xffff  }
0xb9: {  	v48 =	vor.u32 $0x37, v1;
	_ =	sdelay $0x3  }
0xba: {  	[tilespmem:v47+s8+$0x0] =	vst.idx.msk $0xffff, v3  }
0xbb: {  	v49 =	vor.u32 $0x37, v2;
	v3 =	vld.idx.msk [tilespmem:v48+s2+$0x0], $0xffff  }
0xbc: {  	v50 =	vor.u32 $0x38, v1;
	_ =	sdelay $0x3  }
0xbd: {  	[tilespmem:v49+s8+$0x0] =	vst.idx.msk $0xffff, v3  }
0xbe: {  	v51 =	vor.u32 $0x38, v2;
	v3 =	vld.idx.msk [tilespmem:v50+s2+$0x0], $0xffff  }
0xbf: {  	v52 =	vor.u32 $0x39, v1;
	_ =	sdelay $0x3  }
0xc0: {  	[tilespmem:v51+s8+$0x0] =	vst.idx.msk $0xffff, v3  }
0xc1: {  	v53 =	vor.u32 $0x39, v2;
	v3 =	vld.idx.msk [tilespmem:v52+s2+$0x0], $0xffff  }
0xc2: {  	v54 =	vor.u32 $0x3A, v1;
	_ =	sdelay $0x3  }
0xc3: {  	[tilespmem:v53+s8+$0x0] =	vst.idx.msk $0xffff, v3  }
0xc4: {  	v55 =	vor.u32 $0x3A, v2;
	v3 =	vld.idx.msk [tilespmem:v54+s2+$0x0], $0xffff  }
0xc5: {  	v56 =	vor.u32 $0x3B, v1;
	_ =	sdelay $0x3  }
0xc6: {  	[tilespmem:v55+s8+$0x0] =	vst.idx.msk $0xffff, v3  }
0xc7: {  	v57 =	vor.u32 $0x3B, v2;
	v3 =	vld.idx.msk [tilespmem:v56+s2+$0x0], $0xffff  }
0xc8: {  	v58 =	vor.u32 $0x3C, v1;
	_ =	sdelay $0x3  }
0xc9: {  	[tilespmem:v57+s8+$0x0] =	vst.idx.msk $0xffff, v3  }
0xca: {  	v59 =	vor.u32 $0x3C, v2;
	v3 =	vld.idx.msk [tilespmem:v58+s2+$0x0], $0xffff  }
0xcb: {  	v60 =	vor.u32 $0x3D, v1;
	_ =	sdelay $0x3  }
0xcc: {  	[tilespmem:v59+s8+$0x0] =	vst.idx.msk $0xffff, v3  }
0xcd: {  	v61 =	vor.u32 $0x3D, v2;
	v3 =	vld.idx.msk [tilespmem:v60+s2+$0x0], $0xffff  }
0xce: {  	v62 =	vor.u32 $0x3E, v1;
	_ =	sdelay $0x3  }
0xcf: {  	[tilespmem:v61+s8+$0x0] =	vst.idx.msk $0xffff, v3  }
0xd0: {  	v63 =	vor.u32 $0x3E, v2;
	v3 =	vld.idx.msk [tilespmem:v62+s2+$0x0], $0xffff  }
0xd1: {  	v1 =	vor.u32 $0x3F, v1;
	_ =	sdelay $0x3  }
0xd2: {  	[tilespmem:v63+s8+$0x0] =	vst.idx.msk $0xffff, v3  }
0xd3: {  	p0 =	sne.s32 s11, $0x300;
	v2 =	vor.u32 $0x3F, v2;
	v1 =	vld.idx.msk [tilespmem:v1+s2+$0x0], $0xffff  }
.Ltmp0:
0xd4: {  	_ = 	snop;
	(pc) =	sbr.rel @p0 .LBB2_2-.Ltmp0, $2  }
0xd5: {  	_ =	sdelay $0x2  }
0xd6: {  	s10 =	sadd.s32 $0x10, s10;
	s11 =	sadd.s32 $0x10, s11;
	[tilespmem:v2+s8+$0x0] =	vst.idx.msk $0xffff, v1  }
0xd7: {  	s9 =	sadd.s32 $0x1, s9  }
0xd8: {  	p0 =	sne.s32 s9, s6  }
.Ltmp1:
0xd9: {  	_ = 	snop;
	(pc) =	sbr.rel @p0 .LBB2_1-.Ltmp1, $4  }
0xda: {  	[hbm4b:s5+s2] =	stream.linear.scatter [tilespmem:s8], [sflag:$0x1], $0xC400, $0x38;
	[tilespmem:$0x1C710] =	vst v63  }
0xdb: {  	_ =	swait.ge [sflag:s7], $0xC400  }
0xdc: {  	[sflag:s7] =	ssyncset.done $0x0  }
0xdd: {  	[sflag:s7] =	ssyncadd.s32 $0xFFFF3C00  }
0xde: {  	_ =	sfence.sel $0x180000  }
0xdf: {  	[bflag:$0x0] =	sbarrier.arrive $0xFFFF  }
0xe0: {  	p0 =	sne.s32 s0, $0x0;
	_ =	strace $0x90000047  }
0xe1: {  	s0 =	sadd.s32 @!p0 $0x100000, s1;
	[bflag:$0x2] =	sbarrier.arrive $0xFFFF  }
0xe2: {  	[sflag:s0] =	ssyncadd.tile.s32 @!p0 $0x1;
	_ =	shalt  }
.Lfunc_end2:
_tile_overlayer_lowered:
.L_overlay_start_2:
0xe3: {  	(tag) =	ssettag $0x2  }
0xe4: {  	s0 =	rddreg [dreg:$0x0];
	s2 =	stileid.u32  }
0xe5: {  	s1 =	rddreg [dreg:$0x1];
	p0 =	sne.s32 s2, $0x0  }
0xe6: {  	s3 =	rddreg [dreg:$0x2];
	[bflag:$0x3] =	sbarrier.arrive $0xFFFF;
	s2 =	simm.s32 @!p0 $0x1C01  }
0xe7: {  	[timem:s3], [sflag:s2] =	dma.local @!p0 [hbm:s0], s1  }
0xe8: {  	s0 =	simm.s32 @!p0 $0x1  }
0xe9: {  	_ =	swait.ge @!p0 [sflag:s0], s1  }
0xea: {  	s1 =	ssub.s32 @!p0 $0x0, s1;
	[sflag:s0] =	ssyncset.done @!p0 $0x0  }
0xeb: {  	[sflag:s0] =	ssyncadd.s32 @!p0 s1  }
0xec: {  	[bflag:$0x3] =	sbarrier.arrive $0xFFFF  }
0xed: {  	_ =	shalt  }

</sc_bundles>
